<compile_context>
chip_gen: v7x
topology: tpu7x:2x2x1
jax: 0.10.2.dev20260603
libtpu: 0.0.44.dev20260713+nightly
codegen_flags: <defaults>
</compile_context>

<pallas_src>
import functools

import jax
import jax.numpy as jnp
from jax import lax
from jax.experimental import pallas as pl
from jax.experimental.pallas import tpu as pltpu
from jax.experimental.pallas import tpu_sc as plsc

_NC = 2
_NS = 16
_NW = _NC * _NS
_LANES = 16
_NBUF = 4


@functools.cache
def _build(bz, nz, vocab, dim):
  n = bz * nz
  rw = n // _NW
  assert n % _NW == 0 and rw % nz == 0
  reps = 2
  c = reps * nz
  nchunk = rw // c
  assert rw % c == 0 and c % 8 == 0 and nchunk % _NBUF == 0
  nreg = dim // _LANES

  mesh = plsc.VectorSubcoreMesh(core_axis_name="c", subcore_axis_name="s")

  @functools.partial(
      pl.kernel,
      out_type=jax.ShapeDtypeStruct((n, dim), jnp.float32),
      mesh=mesh,
      compiler_params=pltpu.CompilerParams(use_tc_tiling_on_sc=False),
      scratch_types=[
          pltpu.VMEM((nz, dim), jnp.float32),
          pltpu.VMEM((_NBUF, c), jnp.int32),
          pltpu.VMEM((_NBUF, c, dim), jnp.float32),
      ] + [pltpu.SemaphoreType.DMA] * (2 * _NBUF),
  )
  def k(seq_hbm, tok_hbm, pos_hbm, out_hbm, pos_v, idx_v, rows_v, *sems):
    gsem = sems[:_NBUF]
    ssem = sems[_NBUF:]
    wid = lax.axis_index("s") * _NC + lax.axis_index("c")
    base_w = wid * rw
    pltpu.sync_copy(pos_hbm.at[pl.ds(0, nz)], pos_v)

    for b in range(2):
      pltpu.sync_copy(seq_hbm.at[pl.ds(base_w + b * c, c)], idx_v.at[b])
      pltpu.async_copy(tok_hbm.at[idx_v.at[b]], rows_v.at[b], gsem[b])

    def group(gg, carry):
      for b4 in range(_NBUF):
        g = gg * _NBUF + b4
        pltpu.make_async_copy(
            tok_hbm.at[idx_v.at[b4]], rows_v.at[b4], gsem[b4]).wait()

        def p_body(p, c2):
          for j in range(nreg):
            pv = pos_v[p, pl.ds(j * _LANES, _LANES)]
            for r in range(reps):
              plsc.addupdate(
                  rows_v.at[b4, r * nz + p, pl.ds(j * _LANES, _LANES)], pv)
          return c2

        lax.fori_loop(0, nz, p_body, 0)
        pltpu.async_copy(
            rows_v.at[b4], out_hbm.at[pl.ds(base_w + g * c, c)], ssem[b4])

        bp = (b4 + 2) % _NBUF

        @pl.when(g + 2 < nchunk)
        def _():
          @pl.when(g >= 2)
          def _():
            pltpu.make_async_copy(
                rows_v.at[bp], out_hbm.at[pl.ds(base_w, c)], ssem[bp]).wait()

          pltpu.sync_copy(
              seq_hbm.at[pl.ds(base_w + (g + 2) * c, c)], idx_v.at[bp])
          pltpu.async_copy(tok_hbm.at[idx_v.at[bp]], rows_v.at[bp], gsem[bp])

      return carry

    lax.fori_loop(0, nchunk // _NBUF, group, 0)

    for b in range(_NBUF):
      pltpu.make_async_copy(
          rows_v.at[b], out_hbm.at[pl.ds(base_w, c)], ssem[b]).wait()

  return k


def kernel(sequence, tok_embeds, pos_embeds):
  bz, nz = sequence.shape
  vocab, dim = tok_embeds.shape
  seq_flat = sequence.reshape(-1).astype(jnp.int32)
  out = _build(bz, nz, vocab, dim)(seq_flat, tok_embeds, pos_embeds)
  return out.reshape(bz, nz, dim)

# --- scband reference (transcript-rebuilt; emitter-appended) ---
"""Pipeline reference for scband-input-adapter-13984413516485 (READ-ONLY COPY).

The authoritative reference and input builder live on the scoring server;
editing this copy changes nothing except your own understanding.
"""

import jax, jax.numpy as jnp
import numpy as np


def setup_inputs(seed: int = 0) -> dict:
    key = jax.random.key(seed)
    k1, k2, k3 = jax.random.split(key, 3)
    sequence = jax.random.randint(k1, (4096, 200), 0, 1000000, dtype=jnp.int64) if jax.config.jax_enable_x64 else jax.random.randint(k1, (4096, 200), 0, 1000000)
    tok_embeds = jax.random.normal(k2, (1000000, 64), dtype=jnp.float32) * 0.02
    pos_embeds = jax.random.normal(k3, (1024, 64), dtype=jnp.float32) * 0.02
    return {"sequence": sequence, "tok_embeds": tok_embeds, "pos_embeds": pos_embeds}


def reference(sequence, tok_embeds, pos_embeds):
    bz, nz = sequence.shape
    # token embedding lookup (gather)
    embeds = jnp.take(tok_embeds, sequence, axis=0)
    # default positions: arange(nz) broadcast over batch (einops repeat '1 n -> b n')
    positions = jnp.broadcast_to(jnp.arange(nz)[None, :], (bz, nz))
    embeds = embeds + jnp.take(pos_embeds, positions, axis=0)
    return embeds

if __name__ == "__main__":
    import jax
    _d = setup_inputs()
    print(jax.jit(kernel)(*tuple(_d.values())))

</pallas_src>

<mosaic_0001>
#map = affine_map<(d0, d1) -> (0)>
#map1 = affine_map<(d0, d1) -> (0, 0)>
module attributes {stable_mosaic.version = 14 : i64} {
  func.func @k(%arg0: i32, %arg1: i32, %arg2: memref<819200xi32, #tpu.memory_space<hbm>>, %arg3: memref<1000000x64xf32, #tpu.memory_space<hbm>>, %arg4: memref<1024x64xf32, #tpu.memory_space<hbm>>, %arg5: memref<819200x64xf32, #tpu.memory_space<hbm>>, %arg6: memref<200x64xf32, #tpu.memory_space<vmem>>, %arg7: memref<4x400xi32, #tpu.memory_space<vmem>>, %arg8: memref<4x400x64xf32, #tpu.memory_space<vmem>>, %arg9: memref<!tpu.dma_semaphore, #tpu.memory_space<semaphore_mem>>, %arg10: memref<!tpu.dma_semaphore, #tpu.memory_space<semaphore_mem>>, %arg11: memref<!tpu.dma_semaphore, #tpu.memory_space<semaphore_mem>>, %arg12: memref<!tpu.dma_semaphore, #tpu.memory_space<semaphore_mem>>, %arg13: memref<!tpu.dma_semaphore, #tpu.memory_space<semaphore_mem>>, %arg14: memref<!tpu.dma_semaphore, #tpu.memory_space<semaphore_mem>>, %arg15: memref<!tpu.dma_semaphore, #tpu.memory_space<semaphore_mem>>, %arg16: memref<!tpu.dma_semaphore, #tpu.memory_space<semaphore_mem>>) attributes {dimension_semantics = [#tpu.dimension_semantics<core_parallel>, #tpu.dimension_semantics<subcore_parallel>], iteration_bounds = array<i64: 2, 16>, scalar_prefetch = 0 : i64, scratch_operands = 11 : i64, tpu.core_type = #tpu.core_type<sc_vector_subcore>, window_params = [{transform_indices = #map}, {transform_indices = #map1}, {transform_indices = #map1}, {transform_indices = #map1}]} {
    %mul3A = arith.constant 2 : i32
    %mul3A_0 = arith.muli %arg1, %mul3A : i32
    %add3A = arith.addi %mul3A_0, %arg0 : i32
    %mul3A_1 = arith.constant 25600 : i32
    %mul3A_2 = arith.muli %add3A, %mul3A_1 : i32
    "tpu.region"() ({
      %run_scoped3A_87 = tpu.sem_alloc : memref<!tpu.dma_semaphore, #tpu.memory_space<semaphore_mem>>
      %dma_start3A_88 = arith.constant 0 : i32
      %dma_start3A_89 = arith.constant 0 : i32
      %dma_start3A_90 = tpu.memref_slice %arg4[%dma_start3A_88, %dma_start3A_89] : memref<1024x64xf32, #tpu.memory_space<hbm>> -> memref<200x64xf32, #tpu.memory_space<hbm>>
      %dma_start3A_91 = arith.constant 0 : i32
      %dma_start3A_92 = arith.constant 0 : i32
      %dma_start3A_93 = tpu.memref_slice %arg4[%dma_start3A_91, %dma_start3A_92] : memref<1024x64xf32, #tpu.memory_space<hbm>> -> memref<200x64xf32, #tpu.memory_space<hbm>>
      tpu.enqueue_dma source(%dma_start3A_93 : memref<200x64xf32, #tpu.memory_space<hbm>>) target(%arg6 : memref<200x64xf32, #tpu.memory_space<vmem>>) target_semaphore(%run_scoped3A_87 : memref<!tpu.dma_semaphore, #tpu.memory_space<semaphore_mem>>)
      %dma_wait3A_94 = arith.constant 0 : i32
      %dma_wait3A_95 = arith.constant 0 : i32
      %dma_wait3A_96 = tpu.memref_slice %arg4[%dma_wait3A_94, %dma_wait3A_95] : memref<1024x64xf32, #tpu.memory_space<hbm>> -> memref<200x64xf32, #tpu.memory_space<hbm>>
      %dma_wait3A_97 = arith.constant 0 : i32
      %dma_wait3A_98 = arith.constant 0 : i32
      %dma_wait3A_99 = tpu.memref_slice %arg4[%dma_wait3A_97, %dma_wait3A_98] : memref<1024x64xf32, #tpu.memory_space<hbm>> -> memref<200x64xf32, #tpu.memory_space<hbm>>
      tpu.wait_dma2 semaphore(%run_scoped3A_87 : memref<!tpu.dma_semaphore, #tpu.memory_space<semaphore_mem>>) src(%dma_wait3A_99 : memref<200x64xf32, #tpu.memory_space<hbm>>) dst(%arg6 : memref<200x64xf32, #tpu.memory_space<vmem>>)
      tpu.yield
    }) : () -> ()
    %add3A_3 = arith.constant 0 : i32
    %add3A_4 = arith.addi %mul3A_2, %add3A_3 : i32
    %run_scoped3A = arith.constant 0 : i32
    "tpu.region"() ({
      %run_scoped3A_87 = tpu.sem_alloc : memref<!tpu.dma_semaphore, #tpu.memory_space<semaphore_mem>>
      %dma_start3A_88 = arith.constant 0 : i32
      %dma_start3A_89 = tpu.memref_slice %arg7[%run_scoped3A, %dma_start3A_88] : memref<4x400xi32, #tpu.memory_space<vmem>> -> memref<1x400xi32, #tpu.memory_space<vmem>>
      %dma_start3A_90 = tpu.memref_squeeze %dma_start3A_89 : memref<1x400xi32, #tpu.memory_space<vmem>> -> memref<400xi32, #tpu.memory_space<vmem>>
      %dma_start3A_91 = tpu.memref_slice %arg2[%add3A_4] : memref<819200xi32, #tpu.memory_space<hbm>> -> memref<400xi32, #tpu.memory_space<hbm>>
      %dma_start3A_92 = arith.constant 0 : i32
      %dma_start3A_93 = tpu.memref_slice %arg7[%run_scoped3A, %dma_start3A_92] : memref<4x400xi32, #tpu.memory_space<vmem>> -> memref<1x400xi32, #tpu.memory_space<vmem>>
      %dma_start3A_94 = tpu.memref_squeeze %dma_start3A_93 : memref<1x400xi32, #tpu.memory_space<vmem>> -> memref<400xi32, #tpu.memory_space<vmem>>
      %dma_start3A_95 = tpu.memref_slice %arg2[%add3A_4] : memref<819200xi32, #tpu.memory_space<hbm>> -> memref<400xi32, #tpu.memory_space<hbm>>
      tpu.enqueue_dma source(%dma_start3A_95 : memref<400xi32, #tpu.memory_space<hbm>>) target(%dma_start3A_94 : memref<400xi32, #tpu.memory_space<vmem>>) target_semaphore(%run_scoped3A_87 : memref<!tpu.dma_semaphore, #tpu.memory_space<semaphore_mem>>)
      %dma_wait3A_96 = arith.constant 0 : i32
      %dma_wait3A_97 = tpu.memref_slice %arg7[%run_scoped3A, %dma_wait3A_96] : memref<4x400xi32, #tpu.memory_space<vmem>> -> memref<1x400xi32, #tpu.memory_space<vmem>>
      %dma_wait3A_98 = tpu.memref_squeeze %dma_wait3A_97 : memref<1x400xi32, #tpu.memory_space<vmem>> -> memref<400xi32, #tpu.memory_space<vmem>>
      %dma_wait3A_99 = tpu.memref_slice %arg2[%add3A_4] : memref<819200xi32, #tpu.memory_space<hbm>> -> memref<400xi32, #tpu.memory_space<hbm>>
      %dma_wait3A_100 = arith.constant 0 : i32
      %dma_wait3A_101 = tpu.memref_slice %arg7[%run_scoped3A, %dma_wait3A_100] : memref<4x400xi32, #tpu.memory_space<vmem>> -> memref<1x400xi32, #tpu.memory_space<vmem>>
      %dma_wait3A_102 = tpu.memref_squeeze %dma_wait3A_101 : memref<1x400xi32, #tpu.memory_space<vmem>> -> memref<400xi32, #tpu.memory_space<vmem>>
      %dma_wait3A_103 = tpu.memref_slice %arg2[%add3A_4] : memref<819200xi32, #tpu.memory_space<hbm>> -> memref<400xi32, #tpu.memory_space<hbm>>
      tpu.wait_dma2 semaphore(%run_scoped3A_87 : memref<!tpu.dma_semaphore, #tpu.memory_space<semaphore_mem>>) src(%dma_wait3A_103 : memref<400xi32, #tpu.memory_space<hbm>>) dst(%dma_wait3A_102 : memref<400xi32, #tpu.memory_space<vmem>>)
      tpu.yield
    }) : () -> ()
    %dma_start3A = arith.constant 0 : i32
    %dma_start3A_5 = arith.constant 0 : i32
    %dma_start3A_6 = arith.constant 0 : i32
    %dma_start3A_7 = arith.constant 0 : i32
    %dma_start3A_8 = tpu.memref_slice %arg8[%dma_start3A_5, %dma_start3A_6, %dma_start3A_7] : memref<4x400x64xf32, #tpu.memory_space<vmem>> -> memref<1x400x64xf32, #tpu.memory_space<vmem>>
    %dma_start3A_9 = tpu.memref_squeeze %dma_start3A_8 : memref<1x400x64xf32, #tpu.memory_space<vmem>> -> memref<400x64xf32, #tpu.memory_space<vmem>>
    %dma_start3A_10 = arith.constant 0 : i32
    %dma_start3A_11 = tpu.memref_slice %arg7[%dma_start3A, %dma_start3A_10] : memref<4x400xi32, #tpu.memory_space<vmem>> -> memref<1x400xi32, #tpu.memory_space<vmem>>
    %dma_start3A_12 = tpu.memref_squeeze %dma_start3A_11 : memref<1x400xi32, #tpu.memory_space<vmem>> -> memref<400xi32, #tpu.memory_space<vmem>>
    %dma_start3A_13 = arith.constant 0 : i32
    %dma_start3A_14 = arith.constant 0 : i32
    %dma_start3A_15 = tpu.memref_slice %arg3[%dma_start3A_13, %dma_start3A_14] : memref<1000000x64xf32, #tpu.memory_space<hbm>> -> memref<1000000x64xf32, #tpu.memory_space<hbm>>
    tpu.enqueue_indirect_dma source(%dma_start3A_15 : memref<1000000x64xf32, #tpu.memory_space<hbm>>) target(%dma_start3A_9 : memref<400x64xf32, #tpu.memory_space<vmem>>) offsets(%dma_start3A_12 : memref<400xi32, #tpu.memory_space<vmem>>) semaphore(%arg9 : memref<!tpu.dma_semaphore, #tpu.memory_space<semaphore_mem>>)
    %add3A_16 = arith.constant 400 : i32
    %add3A_17 = arith.addi %mul3A_2, %add3A_16 : i32
    %run_scoped3A_18 = arith.constant 1 : i32
    "tpu.region"() ({
      %run_scoped3A_87 = tpu.sem_alloc : memref<!tpu.dma_semaphore, #tpu.memory_space<semaphore_mem>>
      %dma_start3A_88 = arith.constant 0 : i32
      %dma_start3A_89 = tpu.memref_slice %arg7[%run_scoped3A_18, %dma_start3A_88] : memref<4x400xi32, #tpu.memory_space<vmem>> -> memref<1x400xi32, #tpu.memory_space<vmem>>
      %dma_start3A_90 = tpu.memref_squeeze %dma_start3A_89 : memref<1x400xi32, #tpu.memory_space<vmem>> -> memref<400xi32, #tpu.memory_space<vmem>>
      %dma_start3A_91 = tpu.memref_slice %arg2[%add3A_17] : memref<819200xi32, #tpu.memory_space<hbm>> -> memref<400xi32, #tpu.memory_space<hbm>>
      %dma_start3A_92 = arith.constant 0 : i32
      %dma_start3A_93 = tpu.memref_slice %arg7[%run_scoped3A_18, %dma_start3A_92] : memref<4x400xi32, #tpu.memory_space<vmem>> -> memref<1x400xi32, #tpu.memory_space<vmem>>
      %dma_start3A_94 = tpu.memref_squeeze %dma_start3A_93 : memref<1x400xi32, #tpu.memory_space<vmem>> -> memref<400xi32, #tpu.memory_space<vmem>>
      %dma_start3A_95 = tpu.memref_slice %arg2[%add3A_17] : memref<819200xi32, #tpu.memory_space<hbm>> -> memref<400xi32, #tpu.memory_space<hbm>>
      tpu.enqueue_dma source(%dma_start3A_95 : memref<400xi32, #tpu.memory_space<hbm>>) target(%dma_start3A_94 : memref<400xi32, #tpu.memory_space<vmem>>) target_semaphore(%run_scoped3A_87 : memref<!tpu.dma_semaphore, #tpu.memory_space<semaphore_mem>>)
      %dma_wait3A_96 = arith.constant 0 : i32
      %dma_wait3A_97 = tpu.memref_slice %arg7[%run_scoped3A_18, %dma_wait3A_96] : memref<4x400xi32, #tpu.memory_space<vmem>> -> memref<1x400xi32, #tpu.memory_space<vmem>>
      %dma_wait3A_98 = tpu.memref_squeeze %dma_wait3A_97 : memref<1x400xi32, #tpu.memory_space<vmem>> -> memref<400xi32, #tpu.memory_space<vmem>>
      %dma_wait3A_99 = tpu.memref_slice %arg2[%add3A_17] : memref<819200xi32, #tpu.memory_space<hbm>> -> memref<400xi32, #tpu.memory_space<hbm>>
      %dma_wait3A_100 = arith.constant 0 : i32
      %dma_wait3A_101 = tpu.memref_slice %arg7[%run_scoped3A_18, %dma_wait3A_100] : memref<4x400xi32, #tpu.memory_space<vmem>> -> memref<1x400xi32, #tpu.memory_space<vmem>>
      %dma_wait3A_102 = tpu.memref_squeeze %dma_wait3A_101 : memref<1x400xi32, #tpu.memory_space<vmem>> -> memref<400xi32, #tpu.memory_space<vmem>>
      %dma_wait3A_103 = tpu.memref_slice %arg2[%add3A_17] : memref<819200xi32, #tpu.memory_space<hbm>> -> memref<400xi32, #tpu.memory_space<hbm>>
      tpu.wait_dma2 semaphore(%run_scoped3A_87 : memref<!tpu.dma_semaphore, #tpu.memory_space<semaphore_mem>>) src(%dma_wait3A_103 : memref<400xi32, #tpu.memory_space<hbm>>) dst(%dma_wait3A_102 : memref<400xi32, #tpu.memory_space<vmem>>)
      tpu.yield
    }) : () -> ()
    %dma_start3A_19 = arith.constant 1 : i32
    %dma_start3A_20 = arith.constant 1 : i32
    %dma_start3A_21 = arith.constant 0 : i32
    %dma_start3A_22 = arith.constant 0 : i32
    %dma_start3A_23 = tpu.memref_slice %arg8[%dma_start3A_20, %dma_start3A_21, %dma_start3A_22] : memref<4x400x64xf32, #tpu.memory_space<vmem>> -> memref<1x400x64xf32, #tpu.memory_space<vmem>>
    %dma_start3A_24 = tpu.memref_squeeze %dma_start3A_23 : memref<1x400x64xf32, #tpu.memory_space<vmem>> -> memref<400x64xf32, #tpu.memory_space<vmem>>
    %dma_start3A_25 = arith.constant 0 : i32
    %dma_start3A_26 = tpu.memref_slice %arg7[%dma_start3A_19, %dma_start3A_25] : memref<4x400xi32, #tpu.memory_space<vmem>> -> memref<1x400xi32, #tpu.memory_space<vmem>>
    %dma_start3A_27 = tpu.memref_squeeze %dma_start3A_26 : memref<1x400xi32, #tpu.memory_space<vmem>> -> memref<400xi32, #tpu.memory_space<vmem>>
    %dma_start3A_28 = arith.constant 0 : i32
    %dma_start3A_29 = arith.constant 0 : i32
    %dma_start3A_30 = tpu.memref_slice %arg3[%dma_start3A_28, %dma_start3A_29] : memref<1000000x64xf32, #tpu.memory_space<hbm>> -> memref<1000000x64xf32, #tpu.memory_space<hbm>>
    tpu.enqueue_indirect_dma source(%dma_start3A_30 : memref<1000000x64xf32, #tpu.memory_space<hbm>>) target(%dma_start3A_24 : memref<400x64xf32, #tpu.memory_space<vmem>>) offsets(%dma_start3A_27 : memref<400xi32, #tpu.memory_space<vmem>>) semaphore(%arg10 : memref<!tpu.dma_semaphore, #tpu.memory_space<semaphore_mem>>)
    %scan3A = arith.constant 0 : i32
    %scan3A_31 = arith.constant 0 : i32
    %scan3A_32 = arith.constant 16 : i32
    %scan3A_33 = arith.addi %scan3A_31, %scan3A_32 : i32
    %scan3A_34 = arith.constant 1 : i32
    scf.for %scan3A_87 = %scan3A_31 to %scan3A_33 step %scan3A_34  : i32 {
      %mul3A_88 = arith.constant 4 : i32
      %mul3A_89 = arith.muli %scan3A_87, %mul3A_88 : i32
      %add3A_90 = arith.constant 0 : i32
      %add3A_91 = arith.addi %mul3A_89, %add3A_90 : i32
      %dma_wait3A_92 = arith.constant 0 : i32
      %dma_wait3A_93 = arith.constant 0 : i32
      %dma_wait3A_94 = arith.constant 0 : i32
      %dma_wait3A_95 = arith.constant 0 : i32
      %dma_wait3A_96 = tpu.memref_slice %arg8[%dma_wait3A_93, %dma_wait3A_94, %dma_wait3A_95] : memref<4x400x64xf32, #tpu.memory_space<vmem>> -> memref<1x400x64xf32, #tpu.memory_space<vmem>>
      %dma_wait3A_97 = tpu.memref_squeeze %dma_wait3A_96 : memref<1x400x64xf32, #tpu.memory_space<vmem>> -> memref<400x64xf32, #tpu.memory_space<vmem>>
      %dma_wait3A_98 = arith.constant 0 : i32
      %dma_wait3A_99 = tpu.memref_slice %arg7[%dma_wait3A_92, %dma_wait3A_98] : memref<4x400xi32, #tpu.memory_space<vmem>> -> memref<1x400xi32, #tpu.memory_space<vmem>>
      %dma_wait3A_100 = tpu.memref_squeeze %dma_wait3A_99 : memref<1x400xi32, #tpu.memory_space<vmem>> -> memref<400xi32, #tpu.memory_space<vmem>>
      %dma_wait3A_101 = arith.constant 0 : i32
      %dma_wait3A_102 = arith.constant 0 : i32
      %dma_wait3A_103 = tpu.memref_slice %arg3[%dma_wait3A_101, %dma_wait3A_102] : memref<1000000x64xf32, #tpu.memory_space<hbm>> -> memref<1000000x64xf32, #tpu.memory_space<hbm>>
      tpu.wait_indirect_dma semaphore(%arg9 : memref<!tpu.dma_semaphore, #tpu.memory_space<semaphore_mem>>) src(%dma_wait3A_103 : memref<1000000x64xf32, #tpu.memory_space<hbm>>) dst(%dma_wait3A_97 : memref<400x64xf32, #tpu.memory_space<vmem>>)
      %scan3A_104 = arith.constant 0 : i32
      %scan3A_105 = arith.constant 0 : i32
      %scan3A_106 = arith.constant 200 : i32
      %scan3A_107 = arith.addi %scan3A_105, %scan3A_106 : i32
      %scan3A_108 = arith.constant 1 : i32
      scf.for %scan3A_265 = %scan3A_105 to %scan3A_107 step %scan3A_108  : i32 {
        %get3A = arith.index_cast %scan3A_265 : i32 to index
        %get3A_266 = arith.constant 0 : index
        %get3A_267 = tpu.vector_load %arg6[%get3A, %get3A_266] {strides = array<i32>} : memref<200x64xf32, #tpu.memory_space<vmem>>, vector<1x16xf32>,
        %get3A_268 = vector.shape_cast %get3A_267 : vector<1x16xf32> to vector<16xf32>
        %add3A_269 = arith.constant 0 : i32
        %add3A_270 = arith.addi %add3A_269, %scan3A_265 : i32
        %swap3A = arith.constant 0 : i32
        %swap3A_271 = arith.index_cast %swap3A : i32 to index
        %swap3A_272 = arith.index_cast %add3A_270 : i32 to index
        %swap3A_273 = arith.constant 0 : index
        %swap3A_274 = tpu.vector_load %arg8[%swap3A_271, %swap3A_272, %swap3A_273] {strides = array<i32>} : memref<4x400x64xf32, #tpu.memory_space<vmem>>, vector<1x1x16xf32>,
        %swap3A_275 = vector.shape_cast %swap3A_274 : vector<1x1x16xf32> to vector<16xf32>
        %swap3A_276 = vector.shape_cast %get3A_268 : vector<16xf32> to vector<1x1x16xf32>
        tpu.vector_store %arg8[%swap3A_271, %swap3A_272, %swap3A_273], %swap3A_276 {add = true, strides = array<i32>} : memref<4x400x64xf32, #tpu.memory_space<vmem>>, vector<1x1x16xf32>,
        %add3A_277 = arith.constant 200 : i32
        %add3A_278 = arith.addi %add3A_277, %scan3A_265 : i32
        %swap3A_279 = arith.constant 0 : i32
        %swap3A_280 = arith.index_cast %swap3A_279 : i32 to index
        %swap3A_281 = arith.index_cast %add3A_278 : i32 to index
        %swap3A_282 = arith.constant 0 : index
        %swap3A_283 = tpu.vector_load %arg8[%swap3A_280, %swap3A_281, %swap3A_282] {strides = array<i32>} : memref<4x400x64xf32, #tpu.memory_space<vmem>>, vector<1x1x16xf32>,
        %swap3A_284 = vector.shape_cast %swap3A_283 : vector<1x1x16xf32> to vector<16xf32>
        %swap3A_285 = vector.shape_cast %get3A_268 : vector<16xf32> to vector<1x1x16xf32>
        tpu.vector_store %arg8[%swap3A_280, %swap3A_281, %swap3A_282], %swap3A_285 {add = true, strides = array<i32>} : memref<4x400x64xf32, #tpu.memory_space<vmem>>, vector<1x1x16xf32>,
        %get3A_286 = arith.index_cast %scan3A_265 : i32 to index
        %get3A_287 = arith.constant 16 : index
        %get3A_288 = tpu.vector_load %arg6[%get3A_286, %get3A_287] {strides = array<i32>} : memref<200x64xf32, #tpu.memory_space<vmem>>, vector<1x16xf32>,
        %get3A_289 = vector.shape_cast %get3A_288 : vector<1x16xf32> to vector<16xf32>
        %add3A_290 = arith.constant 0 : i32
        %add3A_291 = arith.addi %add3A_290, %scan3A_265 : i32
        %swap3A_292 = arith.constant 0 : i32
        %swap3A_293 = arith.index_cast %swap3A_292 : i32 to index
        %swap3A_294 = arith.index_cast %add3A_291 : i32 to index
        %swap3A_295 = arith.constant 16 : index
        %swap3A_296 = tpu.vector_load %arg8[%swap3A_293, %swap3A_294, %swap3A_295] {strides = array<i32>} : memref<4x400x64xf32, #tpu.memory_space<vmem>>, vector<1x1x16xf32>,
        %swap3A_297 = vector.shape_cast %swap3A_296 : vector<1x1x16xf32> to vector<16xf32>
        %swap3A_298 = vector.shape_cast %get3A_289 : vector<16xf32> to vector<1x1x16xf32>
        tpu.vector_store %arg8[%swap3A_293, %swap3A_294, %swap3A_295], %swap3A_298 {add = true, strides = array<i32>} : memref<4x400x64xf32, #tpu.memory_space<vmem>>, vector<1x1x16xf32>,
        %add3A_299 = arith.constant 200 : i32
        %add3A_300 = arith.addi %add3A_299, %scan3A_265 : i32
        %swap3A_301 = arith.constant 0 : i32
        %swap3A_302 = arith.index_cast %swap3A_301 : i32 to index
        %swap3A_303 = arith.index_cast %add3A_300 : i32 to index
        %swap3A_304 = arith.constant 16 : index
        %swap3A_305 = tpu.vector_load %arg8[%swap3A_302, %swap3A_303, %swap3A_304] {strides = array<i32>} : memref<4x400x64xf32, #tpu.memory_space<vmem>>, vector<1x1x16xf32>,
        %swap3A_306 = vector.shape_cast %swap3A_305 : vector<1x1x16xf32> to vector<16xf32>
        %swap3A_307 = vector.shape_cast %get3A_289 : vector<16xf32> to vector<1x1x16xf32>
        tpu.vector_store %arg8[%swap3A_302, %swap3A_303, %swap3A_304], %swap3A_307 {add = true, strides = array<i32>} : memref<4x400x64xf32, #tpu.memory_space<vmem>>, vector<1x1x16xf32>,
        %get3A_308 = arith.index_cast %scan3A_265 : i32 to index
        %get3A_309 = arith.constant 32 : index
        %get3A_310 = tpu.vector_load %arg6[%get3A_308, %get3A_309] {strides = array<i32>} : memref<200x64xf32, #tpu.memory_space<vmem>>, vector<1x16xf32>,
        %get3A_311 = vector.shape_cast %get3A_310 : vector<1x16xf32> to vector<16xf32>
        %add3A_312 = arith.constant 0 : i32
        %add3A_313 = arith.addi %add3A_312, %scan3A_265 : i32
        %swap3A_314 = arith.constant 0 : i32
        %swap3A_315 = arith.index_cast %swap3A_314 : i32 to index
        %swap3A_316 = arith.index_cast %add3A_313 : i32 to index
        %swap3A_317 = arith.constant 32 : index
        %swap3A_318 = tpu.vector_load %arg8[%swap3A_315, %swap3A_316, %swap3A_317] {strides = array<i32>} : memref<4x400x64xf32, #tpu.memory_space<vmem>>, vector<1x1x16xf32>,
        %swap3A_319 = vector.shape_cast %swap3A_318 : vector<1x1x16xf32> to vector<16xf32>
        %swap3A_320 = vector.shape_cast %get3A_311 : vector<16xf32> to vector<1x1x16xf32>
        tpu.vector_store %arg8[%swap3A_315, %swap3A_316, %swap3A_317], %swap3A_320 {add = true, strides = array<i32>} : memref<4x400x64xf32, #tpu.memory_space<vmem>>, vector<1x1x16xf32>,
        %add3A_321 = arith.constant 200 : i32
        %add3A_322 = arith.addi %add3A_321, %scan3A_265 : i32
        %swap3A_323 = arith.constant 0 : i32
        %swap3A_324 = arith.index_cast %swap3A_323 : i32 to index
        %swap3A_325 = arith.index_cast %add3A_322 : i32 to index
        %swap3A_326 = arith.constant 32 : index
        %swap3A_327 = tpu.vector_load %arg8[%swap3A_324, %swap3A_325, %swap3A_326] {strides = array<i32>} : memref<4x400x64xf32, #tpu.memory_space<vmem>>, vector<1x1x16xf32>,
        %swap3A_328 = vector.shape_cast %swap3A_327 : vector<1x1x16xf32> to vector<16xf32>
        %swap3A_329 = vector.shape_cast %get3A_311 : vector<16xf32> to vector<1x1x16xf32>
        tpu.vector_store %arg8[%swap3A_324, %swap3A_325, %swap3A_326], %swap3A_329 {add = true, strides = array<i32>} : memref<4x400x64xf32, #tpu.memory_space<vmem>>, vector<1x1x16xf32>,
        %get3A_330 = arith.index_cast %scan3A_265 : i32 to index
        %get3A_331 = arith.constant 48 : index
        %get3A_332 = tpu.vector_load %arg6[%get3A_330, %get3A_331] {strides = array<i32>} : memref<200x64xf32, #tpu.memory_space<vmem>>, vector<1x16xf32>,
        %get3A_333 = vector.shape_cast %get3A_332 : vector<1x16xf32> to vector<16xf32>
        %add3A_334 = arith.constant 0 : i32
        %add3A_335 = arith.addi %add3A_334, %scan3A_265 : i32
        %swap3A_336 = arith.constant 0 : i32
        %swap3A_337 = arith.index_cast %swap3A_336 : i32 to index
        %swap3A_338 = arith.index_cast %add3A_335 : i32 to index
        %swap3A_339 = arith.constant 48 : index
        %swap3A_340 = tpu.vector_load %arg8[%swap3A_337, %swap3A_338, %swap3A_339] {strides = array<i32>} : memref<4x400x64xf32, #tpu.memory_space<vmem>>, vector<1x1x16xf32>,
        %swap3A_341 = vector.shape_cast %swap3A_340 : vector<1x1x16xf32> to vector<16xf32>
        %swap3A_342 = vector.shape_cast %get3A_333 : vector<16xf32> to vector<1x1x16xf32>
        tpu.vector_store %arg8[%swap3A_337, %swap3A_338, %swap3A_339], %swap3A_342 {add = true, strides = array<i32>} : memref<4x400x64xf32, #tpu.memory_space<vmem>>, vector<1x1x16xf32>,
        %add3A_343 = arith.constant 200 : i32
        %add3A_344 = arith.addi %add3A_343, %scan3A_265 : i32
        %swap3A_345 = arith.constant 0 : i32
        %swap3A_346 = arith.index_cast %swap3A_345 : i32 to index
        %swap3A_347 = arith.index_cast %add3A_344 : i32 to index
        %swap3A_348 = arith.constant 48 : index
        %swap3A_349 = tpu.vector_load %arg8[%swap3A_346, %swap3A_347, %swap3A_348] {strides = array<i32>} : memref<4x400x64xf32, #tpu.memory_space<vmem>>, vector<1x1x16xf32>,
        %swap3A_350 = vector.shape_cast %swap3A_349 : vector<1x1x16xf32> to vector<16xf32>
        %swap3A_351 = vector.shape_cast %get3A_333 : vector<16xf32> to vector<1x1x16xf32>
        tpu.vector_store %arg8[%swap3A_346, %swap3A_347, %swap3A_348], %swap3A_351 {add = true, strides = array<i32>} : memref<4x400x64xf32, #tpu.memory_space<vmem>>, vector<1x1x16xf32>,
      }
      %scan3A_109 = arith.constant 200 : i32
      %mul3A_110 = arith.constant 400 : i32
      %mul3A_111 = arith.muli %add3A_91, %mul3A_110 : i32
      %add3A_112 = arith.addi %mul3A_2, %mul3A_111 : i32
      %dma_start3A_113 = arith.constant 0 : i32
      %dma_start3A_114 = arith.constant 0 : i32
      %dma_start3A_115 = arith.constant 0 : i32
      %dma_start3A_116 = tpu.memref_slice %arg8[%dma_start3A_113, %dma_start3A_114, %dma_start3A_115] : memref<4x400x64xf32, #tpu.memory_space<vmem>> -> memref<1x400x64xf32, #tpu.memory_space<vmem>>
      %dma_start3A_117 = tpu.memref_squeeze %dma_start3A_116 : memref<1x400x64xf32, #tpu.memory_space<vmem>> -> memref<400x64xf32, #tpu.memory_space<vmem>>
      %dma_start3A_118 = arith.constant 0 : i32
      %dma_start3A_119 = tpu.memref_slice %arg5[%add3A_112, %dma_start3A_118] : memref<819200x64xf32, #tpu.memory_space<hbm>> -> memref<400x64xf32, #tpu.memory_space<hbm>>
      %dma_start3A_120 = arith.constant 0 : i32
      %dma_start3A_121 = tpu.memref_slice %arg5[%add3A_112, %dma_start3A_120] : memref<819200x64xf32, #tpu.memory_space<hbm>> -> memref<400x64xf32, #tpu.memory_space<hbm>>
      %dma_start3A_122 = arith.constant 0 : i32
      %dma_start3A_123 = arith.constant 0 : i32
      %dma_start3A_124 = tpu.memref_slice %arg8[%dma_start3A_113, %dma_start3A_122, %dma_start3A_123] : memref<4x400x64xf32, #tpu.memory_space<vmem>> -> memref<1x400x64xf32, #tpu.memory_space<vmem>>
      %dma_start3A_125 = tpu.memref_squeeze %dma_start3A_124 : memref<1x400x64xf32, #tpu.memory_space<vmem>> -> memref<400x64xf32, #tpu.memory_space<vmem>>
      tpu.enqueue_dma source(%dma_start3A_125 : memref<400x64xf32, #tpu.memory_space<vmem>>) target(%dma_start3A_121 : memref<400x64xf32, #tpu.memory_space<hbm>>) target_semaphore(%arg13 : memref<!tpu.dma_semaphore, #tpu.memory_space<semaphore_mem>>)
      %add3A_126 = arith.constant 2 : i32
      %add3A_127 = arith.addi %add3A_91, %add3A_126 : i32
      %lt3A = arith.constant 64 : i32
      %lt3A_128 = arith.cmpi slt, %add3A_127, %lt3A : i32
      %convert_element_type3A = arith.extui %lt3A_128 : i1 to i32
      %cond3A = arith.constant 0 : i32
      %cond3A_129 = arith.cmpi ne, %convert_element_type3A, %cond3A : i32
      scf.if %cond3A_129 {
        %ge3A = arith.constant 2 : i32
        %ge3A_265 = arith.cmpi sge, %add3A_91, %ge3A : i32
        %convert_element_type3A_266 = arith.extui %ge3A_265 : i1 to i32
        %cond3A_267 = arith.constant 0 : i32
        %cond3A_268 = arith.cmpi ne, %convert_element_type3A_266, %cond3A_267 : i32
        scf.if %cond3A_268 {
          %dma_wait3A_287 = arith.constant 2 : i32
          %dma_wait3A_288 = arith.constant 0 : i32
          %dma_wait3A_289 = arith.constant 0 : i32
          %dma_wait3A_290 = tpu.memref_slice %arg8[%dma_wait3A_287, %dma_wait3A_288, %dma_wait3A_289] : memref<4x400x64xf32, #tpu.memory_space<vmem>> -> memref<1x400x64xf32, #tpu.memory_space<vmem>>
          %dma_wait3A_291 = tpu.memref_squeeze %dma_wait3A_290 : memref<1x400x64xf32, #tpu.memory_space<vmem>> -> memref<400x64xf32, #tpu.memory_space<vmem>>
          %dma_wait3A_292 = arith.constant 0 : i32
          %dma_wait3A_293 = tpu.memref_slice %arg5[%mul3A_2, %dma_wait3A_292] : memref<819200x64xf32, #tpu.memory_space<hbm>> -> memref<400x64xf32, #tpu.memory_space<hbm>>
          %dma_wait3A_294 = arith.constant 0 : i32
          %dma_wait3A_295 = tpu.memref_slice %arg5[%mul3A_2, %dma_wait3A_294] : memref<819200x64xf32, #tpu.memory_space<hbm>> -> memref<400x64xf32, #tpu.memory_space<hbm>>
          %dma_wait3A_296 = arith.constant 0 : i32
          %dma_wait3A_297 = arith.constant 0 : i32
          %dma_wait3A_298 = tpu.memref_slice %arg8[%dma_wait3A_287, %dma_wait3A_296, %dma_wait3A_297] : memref<4x400x64xf32, #tpu.memory_space<vmem>> -> memref<1x400x64xf32, #tpu.memory_space<vmem>>
          %dma_wait3A_299 = tpu.memref_squeeze %dma_wait3A_298 : memref<1x400x64xf32, #tpu.memory_space<vmem>> -> memref<400x64xf32, #tpu.memory_space<vmem>>
          tpu.wait_dma2 semaphore(%arg15 : memref<!tpu.dma_semaphore, #tpu.memory_space<semaphore_mem>>) src(%dma_wait3A_299 : memref<400x64xf32, #tpu.memory_space<vmem>>) dst(%dma_wait3A_295 : memref<400x64xf32, #tpu.memory_space<hbm>>)
        } else {
        }
        %add3A_269 = arith.constant 2 : i32
        %add3A_270 = arith.addi %add3A_91, %add3A_269 : i32
        %mul3A_271 = arith.constant 400 : i32
        %mul3A_272 = arith.muli %add3A_270, %mul3A_271 : i32
        %add3A_273 = arith.addi %mul3A_2, %mul3A_272 : i32
        %run_scoped3A_274 = arith.constant 2 : i32
        "tpu.region"() ({
          %run_scoped3A_287 = tpu.sem_alloc : memref<!tpu.dma_semaphore, #tpu.memory_space<semaphore_mem>>
          %dma_start3A_288 = arith.constant 0 : i32
          %dma_start3A_289 = tpu.memref_slice %arg7[%run_scoped3A_274, %dma_start3A_288] : memref<4x400xi32, #tpu.memory_space<vmem>> -> memref<1x400xi32, #tpu.memory_space<vmem>>
          %dma_start3A_290 = tpu.memref_squeeze %dma_start3A_289 : memref<1x400xi32, #tpu.memory_space<vmem>> -> memref<400xi32, #tpu.memory_space<vmem>>
          %dma_start3A_291 = tpu.memref_slice %arg2[%add3A_273] : memref<819200xi32, #tpu.memory_space<hbm>> -> memref<400xi32, #tpu.memory_space<hbm>>
          %dma_start3A_292 = arith.constant 0 : i32
          %dma_start3A_293 = tpu.memref_slice %arg7[%run_scoped3A_274, %dma_start3A_292] : memref<4x400xi32, #tpu.memory_space<vmem>> -> memref<1x400xi32, #tpu.memory_space<vmem>>
          %dma_start3A_294 = tpu.memref_squeeze %dma_start3A_293 : memref<1x400xi32, #tpu.memory_space<vmem>> -> memref<400xi32, #tpu.memory_space<vmem>>
          %dma_start3A_295 = tpu.memref_slice %arg2[%add3A_273] : memref<819200xi32, #tpu.memory_space<hbm>> -> memref<400xi32, #tpu.memory_space<hbm>>
          tpu.enqueue_dma source(%dma_start3A_295 : memref<400xi32, #tpu.memory_space<hbm>>) target(%dma_start3A_294 : memref<400xi32, #tpu.memory_space<vmem>>) target_semaphore(%run_scoped3A_287 : memref<!tpu.dma_semaphore, #tpu.memory_space<semaphore_mem>>)
          %dma_wait3A_296 = arith.constant 0 : i32
          %dma_wait3A_297 = tpu.memref_slice %arg7[%run_scoped3A_274, %dma_wait3A_296] : memref<4x400xi32, #tpu.memory_space<vmem>> -> memref<1x400xi32, #tpu.memory_space<vmem>>
          %dma_wait3A_298 = tpu.memref_squeeze %dma_wait3A_297 : memref<1x400xi32, #tpu.memory_space<vmem>> -> memref<400xi32, #tpu.memory_space<vmem>>
          %dma_wait3A_299 = tpu.memref_slice %arg2[%add3A_273] : memref<819200xi32, #tpu.memory_space<hbm>> -> memref<400xi32, #tpu.memory_space<hbm>>
          %dma_wait3A_300 = arith.constant 0 : i32
          %dma_wait3A_301 = tpu.memref_slice %arg7[%run_scoped3A_274, %dma_wait3A_300] : memref<4x400xi32, #tpu.memory_space<vmem>> -> memref<1x400xi32, #tpu.memory_space<vmem>>
          %dma_wait3A_302 = tpu.memref_squeeze %dma_wait3A_301 : memref<1x400xi32, #tpu.memory_space<vmem>> -> memref<400xi32, #tpu.memory_space<vmem>>
          %dma_wait3A_303 = tpu.memref_slice %arg2[%add3A_273] : memref<819200xi32, #tpu.memory_space<hbm>> -> memref<400xi32, #tpu.memory_space<hbm>>
          tpu.wait_dma2 semaphore(%run_scoped3A_287 : memref<!tpu.dma_semaphore, #tpu.memory_space<semaphore_mem>>) src(%dma_wait3A_303 : memref<400xi32, #tpu.memory_space<hbm>>) dst(%dma_wait3A_302 : memref<400xi32, #tpu.memory_space<vmem>>)
          tpu.yield
        }) : () -> ()
        %dma_start3A_275 = arith.constant 2 : i32
        %dma_start3A_276 = arith.constant 2 : i32
        %dma_start3A_277 = arith.constant 0 : i32
        %dma_start3A_278 = arith.constant 0 : i32
        %dma_start3A_279 = tpu.memref_slice %arg8[%dma_start3A_276, %dma_start3A_277, %dma_start3A_278] : memref<4x400x64xf32, #tpu.memory_space<vmem>> -> memref<1x400x64xf32, #tpu.memory_space<vmem>>
        %dma_start3A_280 = tpu.memref_squeeze %dma_start3A_279 : memref<1x400x64xf32, #tpu.memory_space<vmem>> -> memref<400x64xf32, #tpu.memory_space<vmem>>
        %dma_start3A_281 = arith.constant 0 : i32
        %dma_start3A_282 = tpu.memref_slice %arg7[%dma_start3A_275, %dma_start3A_281] : memref<4x400xi32, #tpu.memory_space<vmem>> -> memref<1x400xi32, #tpu.memory_space<vmem>>
        %dma_start3A_283 = tpu.memref_squeeze %dma_start3A_282 : memref<1x400xi32, #tpu.memory_space<vmem>> -> memref<400xi32, #tpu.memory_space<vmem>>
        %dma_start3A_284 = arith.constant 0 : i32
        %dma_start3A_285 = arith.constant 0 : i32
        %dma_start3A_286 = tpu.memref_slice %arg3[%dma_start3A_284, %dma_start3A_285] : memref<1000000x64xf32, #tpu.memory_space<hbm>> -> memref<1000000x64xf32, #tpu.memory_space<hbm>>
        tpu.enqueue_indirect_dma source(%dma_start3A_286 : memref<1000000x64xf32, #tpu.memory_space<hbm>>) target(%dma_start3A_280 : memref<400x64xf32, #tpu.memory_space<vmem>>) offsets(%dma_start3A_283 : memref<400xi32, #tpu.memory_space<vmem>>) semaphore(%arg11 : memref<!tpu.dma_semaphore, #tpu.memory_space<semaphore_mem>>)
      } else {
      }
      %mul3A_130 = arith.constant 4 : i32
      %mul3A_131 = arith.muli %scan3A_87, %mul3A_130 : i32
      %add3A_132 = arith.constant 1 : i32
      %add3A_133 = arith.addi %mul3A_131, %add3A_132 : i32
      %dma_wait3A_134 = arith.constant 1 : i32
      %dma_wait3A_135 = arith.constant 1 : i32
      %dma_wait3A_136 = arith.constant 0 : i32
      %dma_wait3A_137 = arith.constant 0 : i32
      %dma_wait3A_138 = tpu.memref_slice %arg8[%dma_wait3A_135, %dma_wait3A_136, %dma_wait3A_137] : memref<4x400x64xf32, #tpu.memory_space<vmem>> -> memref<1x400x64xf32, #tpu.memory_space<vmem>>
      %dma_wait3A_139 = tpu.memref_squeeze %dma_wait3A_138 : memref<1x400x64xf32, #tpu.memory_space<vmem>> -> memref<400x64xf32, #tpu.memory_space<vmem>>
      %dma_wait3A_140 = arith.constant 0 : i32
      %dma_wait3A_141 = tpu.memref_slice %arg7[%dma_wait3A_134, %dma_wait3A_140] : memref<4x400xi32, #tpu.memory_space<vmem>> -> memref<1x400xi32, #tpu.memory_space<vmem>>
      %dma_wait3A_142 = tpu.memref_squeeze %dma_wait3A_141 : memref<1x400xi32, #tpu.memory_space<vmem>> -> memref<400xi32, #tpu.memory_space<vmem>>
      %dma_wait3A_143 = arith.constant 0 : i32
      %dma_wait3A_144 = arith.constant 0 : i32
      %dma_wait3A_145 = tpu.memref_slice %arg3[%dma_wait3A_143, %dma_wait3A_144] : memref<1000000x64xf32, #tpu.memory_space<hbm>> -> memref<1000000x64xf32, #tpu.memory_space<hbm>>
      tpu.wait_indirect_dma semaphore(%arg10 : memref<!tpu.dma_semaphore, #tpu.memory_space<semaphore_mem>>) src(%dma_wait3A_145 : memref<1000000x64xf32, #tpu.memory_space<hbm>>) dst(%dma_wait3A_139 : memref<400x64xf32, #tpu.memory_space<vmem>>)
      %scan3A_146 = arith.constant 0 : i32
      %scan3A_147 = arith.constant 0 : i32
      %scan3A_148 = arith.constant 200 : i32
      %scan3A_149 = arith.addi %scan3A_147, %scan3A_148 : i32
      %scan3A_150 = arith.constant 1 : i32
      scf.for %scan3A_265 = %scan3A_147 to %scan3A_149 step %scan3A_150  : i32 {
        %get3A = arith.index_cast %scan3A_265 : i32 to index
        %get3A_266 = arith.constant 0 : index
        %get3A_267 = tpu.vector_load %arg6[%get3A, %get3A_266] {strides = array<i32>} : memref<200x64xf32, #tpu.memory_space<vmem>>, vector<1x16xf32>,
        %get3A_268 = vector.shape_cast %get3A_267 : vector<1x16xf32> to vector<16xf32>
        %add3A_269 = arith.constant 0 : i32
        %add3A_270 = arith.addi %add3A_269, %scan3A_265 : i32
        %swap3A = arith.constant 1 : i32
        %swap3A_271 = arith.index_cast %swap3A : i32 to index
        %swap3A_272 = arith.index_cast %add3A_270 : i32 to index
        %swap3A_273 = arith.constant 0 : index
        %swap3A_274 = tpu.vector_load %arg8[%swap3A_271, %swap3A_272, %swap3A_273] {strides = array<i32>} : memref<4x400x64xf32, #tpu.memory_space<vmem>>, vector<1x1x16xf32>,
        %swap3A_275 = vector.shape_cast %swap3A_274 : vector<1x1x16xf32> to vector<16xf32>
        %swap3A_276 = vector.shape_cast %get3A_268 : vector<16xf32> to vector<1x1x16xf32>
        tpu.vector_store %arg8[%swap3A_271, %swap3A_272, %swap3A_273], %swap3A_276 {add = true, strides = array<i32>} : memref<4x400x64xf32, #tpu.memory_space<vmem>>, vector<1x1x16xf32>,
        %add3A_277 = arith.constant 200 : i32
        %add3A_278 = arith.addi %add3A_277, %scan3A_265 : i32
        %swap3A_279 = arith.constant 1 : i32
        %swap3A_280 = arith.index_cast %swap3A_279 : i32 to index
        %swap3A_281 = arith.index_cast %add3A_278 : i32 to index
        %swap3A_282 = arith.constant 0 : index
        %swap3A_283 = tpu.vector_load %arg8[%swap3A_280, %swap3A_281, %swap3A_282] {strides = array<i32>} : memref<4x400x64xf32, #tpu.memory_space<vmem>>, vector<1x1x16xf32>,
        %swap3A_284 = vector.shape_cast %swap3A_283 : vector<1x1x16xf32> to vector<16xf32>
        %swap3A_285 = vector.shape_cast %get3A_268 : vector<16xf32> to vector<1x1x16xf32>
        tpu.vector_store %arg8[%swap3A_280, %swap3A_281, %swap3A_282], %swap3A_285 {add = true, strides = array<i32>} : memref<4x400x64xf32, #tpu.memory_space<vmem>>, vector<1x1x16xf32>,
        %get3A_286 = arith.index_cast %scan3A_265 : i32 to index
        %get3A_287 = arith.constant 16 : index
        %get3A_288 = tpu.vector_load %arg6[%get3A_286, %get3A_287] {strides = array<i32>} : memref<200x64xf32, #tpu.memory_space<vmem>>, vector<1x16xf32>,
        %get3A_289 = vector.shape_cast %get3A_288 : vector<1x16xf32> to vector<16xf32>
        %add3A_290 = arith.constant 0 : i32
        %add3A_291 = arith.addi %add3A_290, %scan3A_265 : i32
        %swap3A_292 = arith.constant 1 : i32
        %swap3A_293 = arith.index_cast %swap3A_292 : i32 to index
        %swap3A_294 = arith.index_cast %add3A_291 : i32 to index
        %swap3A_295 = arith.constant 16 : index
        %swap3A_296 = tpu.vector_load %arg8[%swap3A_293, %swap3A_294, %swap3A_295] {strides = array<i32>} : memref<4x400x64xf32, #tpu.memory_space<vmem>>, vector<1x1x16xf32>,
        %swap3A_297 = vector.shape_cast %swap3A_296 : vector<1x1x16xf32> to vector<16xf32>
        %swap3A_298 = vector.shape_cast %get3A_289 : vector<16xf32> to vector<1x1x16xf32>
        tpu.vector_store %arg8[%swap3A_293, %swap3A_294, %swap3A_295], %swap3A_298 {add = true, strides = array<i32>} : memref<4x400x64xf32, #tpu.memory_space<vmem>>, vector<1x1x16xf32>,
        %add3A_299 = arith.constant 200 : i32
        %add3A_300 = arith.addi %add3A_299, %scan3A_265 : i32
        %swap3A_301 = arith.constant 1 : i32
        %swap3A_302 = arith.index_cast %swap3A_301 : i32 to index
        %swap3A_303 = arith.index_cast %add3A_300 : i32 to index
        %swap3A_304 = arith.constant 16 : index
        %swap3A_305 = tpu.vector_load %arg8[%swap3A_302, %swap3A_303, %swap3A_304] {strides = array<i32>} : memref<4x400x64xf32, #tpu.memory_space<vmem>>, vector<1x1x16xf32>,
        %swap3A_306 = vector.shape_cast %swap3A_305 : vector<1x1x16xf32> to vector<16xf32>
        %swap3A_307 = vector.shape_cast %get3A_289 : vector<16xf32> to vector<1x1x16xf32>
        tpu.vector_store %arg8[%swap3A_302, %swap3A_303, %swap3A_304], %swap3A_307 {add = true, strides = array<i32>} : memref<4x400x64xf32, #tpu.memory_space<vmem>>, vector<1x1x16xf32>,
        %get3A_308 = arith.index_cast %scan3A_265 : i32 to index
        %get3A_309 = arith.constant 32 : index
        %get3A_310 = tpu.vector_load %arg6[%get3A_308, %get3A_309] {strides = array<i32>} : memref<200x64xf32, #tpu.memory_space<vmem>>, vector<1x16xf32>,
        %get3A_311 = vector.shape_cast %get3A_310 : vector<1x16xf32> to vector<16xf32>
        %add3A_312 = arith.constant 0 : i32
        %add3A_313 = arith.addi %add3A_312, %scan3A_265 : i32
        %swap3A_314 = arith.constant 1 : i32
        %swap3A_315 = arith.index_cast %swap3A_314 : i32 to index
        %swap3A_316 = arith.index_cast %add3A_313 : i32 to index
        %swap3A_317 = arith.constant 32 : index
        %swap3A_318 = tpu.vector_load %arg8[%swap3A_315, %swap3A_316, %swap3A_317] {strides = array<i32>} : memref<4x400x64xf32, #tpu.memory_space<vmem>>, vector<1x1x16xf32>,
        %swap3A_319 = vector.shape_cast %swap3A_318 : vector<1x1x16xf32> to vector<16xf32>
        %swap3A_320 = vector.shape_cast %get3A_311 : vector<16xf32> to vector<1x1x16xf32>
        tpu.vector_store %arg8[%swap3A_315, %swap3A_316, %swap3A_317], %swap3A_320 {add = true, strides = array<i32>} : memref<4x400x64xf32, #tpu.memory_space<vmem>>, vector<1x1x16xf32>,
        %add3A_321 = arith.constant 200 : i32
        %add3A_322 = arith.addi %add3A_321, %scan3A_265 : i32
        %swap3A_323 = arith.constant 1 : i32
        %swap3A_324 = arith.index_cast %swap3A_323 : i32 to index
        %swap3A_325 = arith.index_cast %add3A_322 : i32 to index
        %swap3A_326 = arith.constant 32 : index
        %swap3A_327 = tpu.vector_load %arg8[%swap3A_324, %swap3A_325, %swap3A_326] {strides = array<i32>} : memref<4x400x64xf32, #tpu.memory_space<vmem>>, vector<1x1x16xf32>,
        %swap3A_328 = vector.shape_cast %swap3A_327 : vector<1x1x16xf32> to vector<16xf32>
        %swap3A_329 = vector.shape_cast %get3A_311 : vector<16xf32> to vector<1x1x16xf32>
        tpu.vector_store %arg8[%swap3A_324, %swap3A_325, %swap3A_326], %swap3A_329 {add = true, strides = array<i32>} : memref<4x400x64xf32, #tpu.memory_space<vmem>>, vector<1x1x16xf32>,
        %get3A_330 = arith.index_cast %scan3A_265 : i32 to index
        %get3A_331 = arith.constant 48 : index
        %get3A_332 = tpu.vector_load %arg6[%get3A_330, %get3A_331] {strides = array<i32>} : memref<200x64xf32, #tpu.memory_space<vmem>>, vector<1x16xf32>,
        %get3A_333 = vector.shape_cast %get3A_332 : vector<1x16xf32> to vector<16xf32>
        %add3A_334 = arith.constant 0 : i32
        %add3A_335 = arith.addi %add3A_334, %scan3A_265 : i32
        %swap3A_336 = arith.constant 1 : i32
        %swap3A_337 = arith.index_cast %swap3A_336 : i32 to index
        %swap3A_338 = arith.index_cast %add3A_335 : i32 to index
        %swap3A_339 = arith.constant 48 : index
        %swap3A_340 = tpu.vector_load %arg8[%swap3A_337, %swap3A_338, %swap3A_339] {strides = array<i32>} : memref<4x400x64xf32, #tpu.memory_space<vmem>>, vector<1x1x16xf32>,
        %swap3A_341 = vector.shape_cast %swap3A_340 : vector<1x1x16xf32> to vector<16xf32>
        %swap3A_342 = vector.shape_cast %get3A_333 : vector<16xf32> to vector<1x1x16xf32>
        tpu.vector_store %arg8[%swap3A_337, %swap3A_338, %swap3A_339], %swap3A_342 {add = true, strides = array<i32>} : memref<4x400x64xf32, #tpu.memory_space<vmem>>, vector<1x1x16xf32>,
        %add3A_343 = arith.constant 200 : i32
        %add3A_344 = arith.addi %add3A_343, %scan3A_265 : i32
        %swap3A_345 = arith.constant 1 : i32
        %swap3A_346 = arith.index_cast %swap3A_345 : i32 to index
        %swap3A_347 = arith.index_cast %add3A_344 : i32 to index
        %swap3A_348 = arith.constant 48 : index
        %swap3A_349 = tpu.vector_load %arg8[%swap3A_346, %swap3A_347, %swap3A_348] {strides = array<i32>} : memref<4x400x64xf32, #tpu.memory_space<vmem>>, vector<1x1x16xf32>,
        %swap3A_350 = vector.shape_cast %swap3A_349 : vector<1x1x16xf32> to vector<16xf32>
        %swap3A_351 = vector.shape_cast %get3A_333 : vector<16xf32> to vector<1x1x16xf32>
        tpu.vector_store %arg8[%swap3A_346, %swap3A_347, %swap3A_348], %swap3A_351 {add = true, strides = array<i32>} : memref<4x400x64xf32, #tpu.memory_space<vmem>>, vector<1x1x16xf32>,
      }
      %scan3A_151 = arith.constant 200 : i32
      %mul3A_152 = arith.constant 400 : i32
      %mul3A_153 = arith.muli %add3A_133, %mul3A_152 : i32
      %add3A_154 = arith.addi %mul3A_2, %mul3A_153 : i32
      %dma_start3A_155 = arith.constant 1 : i32
      %dma_start3A_156 = arith.constant 0 : i32
      %dma_start3A_157 = arith.constant 0 : i32
      %dma_start3A_158 = tpu.memref_slice %arg8[%dma_start3A_155, %dma_start3A_156, %dma_start3A_157] : memref<4x400x64xf32, #tpu.memory_space<vmem>> -> memref<1x400x64xf32, #tpu.memory_space<vmem>>
      %dma_start3A_159 = tpu.memref_squeeze %dma_start3A_158 : memref<1x400x64xf32, #tpu.memory_space<vmem>> -> memref<400x64xf32, #tpu.memory_space<vmem>>
      %dma_start3A_160 = arith.constant 0 : i32
      %dma_start3A_161 = tpu.memref_slice %arg5[%add3A_154, %dma_start3A_160] : memref<819200x64xf32, #tpu.memory_space<hbm>> -> memref<400x64xf32, #tpu.memory_space<hbm>>
      %dma_start3A_162 = arith.constant 0 : i32
      %dma_start3A_163 = tpu.memref_slice %arg5[%add3A_154, %dma_start3A_162] : memref<819200x64xf32, #tpu.memory_space<hbm>> -> memref<400x64xf32, #tpu.memory_space<hbm>>
      %dma_start3A_164 = arith.constant 0 : i32
      %dma_start3A_165 = arith.constant 0 : i32
      %dma_start3A_166 = tpu.memref_slice %arg8[%dma_start3A_155, %dma_start3A_164, %dma_start3A_165] : memref<4x400x64xf32, #tpu.memory_space<vmem>> -> memref<1x400x64xf32, #tpu.memory_space<vmem>>
      %dma_start3A_167 = tpu.memref_squeeze %dma_start3A_166 : memref<1x400x64xf32, #tpu.memory_space<vmem>> -> memref<400x64xf32, #tpu.memory_space<vmem>>
      tpu.enqueue_dma source(%dma_start3A_167 : memref<400x64xf32, #tpu.memory_space<vmem>>) target(%dma_start3A_163 : memref<400x64xf32, #tpu.memory_space<hbm>>) target_semaphore(%arg14 : memref<!tpu.dma_semaphore, #tpu.memory_space<semaphore_mem>>)
      %add3A_168 = arith.constant 2 : i32
      %add3A_169 = arith.addi %add3A_133, %add3A_168 : i32
      %lt3A_170 = arith.constant 64 : i32
      %lt3A_171 = arith.cmpi slt, %add3A_169, %lt3A_170 : i32
      %convert_element_type3A_172 = arith.extui %lt3A_171 : i1 to i32
      %cond3A_173 = arith.constant 0 : i32
      %cond3A_174 = arith.cmpi ne, %convert_element_type3A_172, %cond3A_173 : i32
      scf.if %cond3A_174 {
        %ge3A = arith.constant 2 : i32
        %ge3A_265 = arith.cmpi sge, %add3A_133, %ge3A : i32
        %convert_element_type3A_266 = arith.extui %ge3A_265 : i1 to i32
        %cond3A_267 = arith.constant 0 : i32
        %cond3A_268 = arith.cmpi ne, %convert_element_type3A_266, %cond3A_267 : i32
        scf.if %cond3A_268 {
          %dma_wait3A_287 = arith.constant 3 : i32
          %dma_wait3A_288 = arith.constant 0 : i32
          %dma_wait3A_289 = arith.constant 0 : i32
          %dma_wait3A_290 = tpu.memref_slice %arg8[%dma_wait3A_287, %dma_wait3A_288, %dma_wait3A_289] : memref<4x400x64xf32, #tpu.memory_space<vmem>> -> memref<1x400x64xf32, #tpu.memory_space<vmem>>
          %dma_wait3A_291 = tpu.memref_squeeze %dma_wait3A_290 : memref<1x400x64xf32, #tpu.memory_space<vmem>> -> memref<400x64xf32, #tpu.memory_space<vmem>>
          %dma_wait3A_292 = arith.constant 0 : i32
          %dma_wait3A_293 = tpu.memref_slice %arg5[%mul3A_2, %dma_wait3A_292] : memref<819200x64xf32, #tpu.memory_space<hbm>> -> memref<400x64xf32, #tpu.memory_space<hbm>>
          %dma_wait3A_294 = arith.constant 0 : i32
          %dma_wait3A_295 = tpu.memref_slice %arg5[%mul3A_2, %dma_wait3A_294] : memref<819200x64xf32, #tpu.memory_space<hbm>> -> memref<400x64xf32, #tpu.memory_space<hbm>>
          %dma_wait3A_296 = arith.constant 0 : i32
          %dma_wait3A_297 = arith.constant 0 : i32
          %dma_wait3A_298 = tpu.memref_slice %arg8[%dma_wait3A_287, %dma_wait3A_296, %dma_wait3A_297] : memref<4x400x64xf32, #tpu.memory_space<vmem>> -> memref<1x400x64xf32, #tpu.memory_space<vmem>>
          %dma_wait3A_299 = tpu.memref_squeeze %dma_wait3A_298 : memref<1x400x64xf32, #tpu.memory_space<vmem>> -> memref<400x64xf32, #tpu.memory_space<vmem>>
          tpu.wait_dma2 semaphore(%arg16 : memref<!tpu.dma_semaphore, #tpu.memory_space<semaphore_mem>>) src(%dma_wait3A_299 : memref<400x64xf32, #tpu.memory_space<vmem>>) dst(%dma_wait3A_295 : memref<400x64xf32, #tpu.memory_space<hbm>>)
        } else {
        }
        %add3A_269 = arith.constant 2 : i32
        %add3A_270 = arith.addi %add3A_133, %add3A_269 : i32
        %mul3A_271 = arith.constant 400 : i32
        %mul3A_272 = arith.muli %add3A_270, %mul3A_271 : i32
        %add3A_273 = arith.addi %mul3A_2, %mul3A_272 : i32
        %run_scoped3A_274 = arith.constant 3 : i32
        "tpu.region"() ({
          %run_scoped3A_287 = tpu.sem_alloc : memref<!tpu.dma_semaphore, #tpu.memory_space<semaphore_mem>>
          %dma_start3A_288 = arith.constant 0 : i32
          %dma_start3A_289 = tpu.memref_slice %arg7[%run_scoped3A_274, %dma_start3A_288] : memref<4x400xi32, #tpu.memory_space<vmem>> -> memref<1x400xi32, #tpu.memory_space<vmem>>
          %dma_start3A_290 = tpu.memref_squeeze %dma_start3A_289 : memref<1x400xi32, #tpu.memory_space<vmem>> -> memref<400xi32, #tpu.memory_space<vmem>>
          %dma_start3A_291 = tpu.memref_slice %arg2[%add3A_273] : memref<819200xi32, #tpu.memory_space<hbm>> -> memref<400xi32, #tpu.memory_space<hbm>>
          %dma_start3A_292 = arith.constant 0 : i32
          %dma_start3A_293 = tpu.memref_slice %arg7[%run_scoped3A_274, %dma_start3A_292] : memref<4x400xi32, #tpu.memory_space<vmem>> -> memref<1x400xi32, #tpu.memory_space<vmem>>
          %dma_start3A_294 = tpu.memref_squeeze %dma_start3A_293 : memref<1x400xi32, #tpu.memory_space<vmem>> -> memref<400xi32, #tpu.memory_space<vmem>>
          %dma_start3A_295 = tpu.memref_slice %arg2[%add3A_273] : memref<819200xi32, #tpu.memory_space<hbm>> -> memref<400xi32, #tpu.memory_space<hbm>>
          tpu.enqueue_dma source(%dma_start3A_295 : memref<400xi32, #tpu.memory_space<hbm>>) target(%dma_start3A_294 : memref<400xi32, #tpu.memory_space<vmem>>) target_semaphore(%run_scoped3A_287 : memref<!tpu.dma_semaphore, #tpu.memory_space<semaphore_mem>>)
          %dma_wait3A_296 = arith.constant 0 : i32
          %dma_wait3A_297 = tpu.memref_slice %arg7[%run_scoped3A_274, %dma_wait3A_296] : memref<4x400xi32, #tpu.memory_space<vmem>> -> memref<1x400xi32, #tpu.memory_space<vmem>>
          %dma_wait3A_298 = tpu.memref_squeeze %dma_wait3A_297 : memref<1x400xi32, #tpu.memory_space<vmem>> -> memref<400xi32, #tpu.memory_space<vmem>>
          %dma_wait3A_299 = tpu.memref_slice %arg2[%add3A_273] : memref<819200xi32, #tpu.memory_space<hbm>> -> memref<400xi32, #tpu.memory_space<hbm>>
          %dma_wait3A_300 = arith.constant 0 : i32
          %dma_wait3A_301 = tpu.memref_slice %arg7[%run_scoped3A_274, %dma_wait3A_300] : memref<4x400xi32, #tpu.memory_space<vmem>> -> memref<1x400xi32, #tpu.memory_space<vmem>>
          %dma_wait3A_302 = tpu.memref_squeeze %dma_wait3A_301 : memref<1x400xi32, #tpu.memory_space<vmem>> -> memref<400xi32, #tpu.memory_space<vmem>>
          %dma_wait3A_303 = tpu.memref_slice %arg2[%add3A_273] : memref<819200xi32, #tpu.memory_space<hbm>> -> memref<400xi32, #tpu.memory_space<hbm>>
          tpu.wait_dma2 semaphore(%run_scoped3A_287 : memref<!tpu.dma_semaphore, #tpu.memory_space<semaphore_mem>>) src(%dma_wait3A_303 : memref<400xi32, #tpu.memory_space<hbm>>) dst(%dma_wait3A_302 : memref<400xi32, #tpu.memory_space<vmem>>)
          tpu.yield
        }) : () -> ()
        %dma_start3A_275 = arith.constant 3 : i32
        %dma_start3A_276 = arith.constant 3 : i32
        %dma_start3A_277 = arith.constant 0 : i32
        %dma_start3A_278 = arith.constant 0 : i32
        %dma_start3A_279 = tpu.memref_slice %arg8[%dma_start3A_276, %dma_start3A_277, %dma_start3A_278] : memref<4x400x64xf32, #tpu.memory_space<vmem>> -> memref<1x400x64xf32, #tpu.memory_space<vmem>>
        %dma_start3A_280 = tpu.memref_squeeze %dma_start3A_279 : memref<1x400x64xf32, #tpu.memory_space<vmem>> -> memref<400x64xf32, #tpu.memory_space<vmem>>
        %dma_start3A_281 = arith.constant 0 : i32
        %dma_start3A_282 = tpu.memref_slice %arg7[%dma_start3A_275, %dma_start3A_281] : memref<4x400xi32, #tpu.memory_space<vmem>> -> memref<1x400xi32, #tpu.memory_space<vmem>>
        %dma_start3A_283 = tpu.memref_squeeze %dma_start3A_282 : memref<1x400xi32, #tpu.memory_space<vmem>> -> memref<400xi32, #tpu.memory_space<vmem>>
        %dma_start3A_284 = arith.constant 0 : i32
        %dma_start3A_285 = arith.constant 0 : i32
        %dma_start3A_286 = tpu.memref_slice %arg3[%dma_start3A_284, %dma_start3A_285] : memref<1000000x64xf32, #tpu.memory_space<hbm>> -> memref<1000000x64xf32, #tpu.memory_space<hbm>>
        tpu.enqueue_indirect_dma source(%dma_start3A_286 : memref<1000000x64xf32, #tpu.memory_space<hbm>>) target(%dma_start3A_280 : memref<400x64xf32, #tpu.memory_space<vmem>>) offsets(%dma_start3A_283 : memref<400xi32, #tpu.memory_space<vmem>>) semaphore(%arg12 : memref<!tpu.dma_semaphore, #tpu.memory_space<semaphore_mem>>)
      } else {
      }
      %mul3A_175 = arith.constant 4 : i32
      %mul3A_176 = arith.muli %scan3A_87, %mul3A_175 : i32
      %add3A_177 = arith.constant 2 : i32
      %add3A_178 = arith.addi %mul3A_176, %add3A_177 : i32
      %dma_wait3A_179 = arith.constant 2 : i32
      %dma_wait3A_180 = arith.constant 2 : i32
      %dma_wait3A_181 = arith.constant 0 : i32
      %dma_wait3A_182 = arith.constant 0 : i32
      %dma_wait3A_183 = tpu.memref_slice %arg8[%dma_wait3A_180, %dma_wait3A_181, %dma_wait3A_182] : memref<4x400x64xf32, #tpu.memory_space<vmem>> -> memref<1x400x64xf32, #tpu.memory_space<vmem>>
      %dma_wait3A_184 = tpu.memref_squeeze %dma_wait3A_183 : memref<1x400x64xf32, #tpu.memory_space<vmem>> -> memref<400x64xf32, #tpu.memory_space<vmem>>
      %dma_wait3A_185 = arith.constant 0 : i32
      %dma_wait3A_186 = tpu.memref_slice %arg7[%dma_wait3A_179, %dma_wait3A_185] : memref<4x400xi32, #tpu.memory_space<vmem>> -> memref<1x400xi32, #tpu.memory_space<vmem>>
      %dma_wait3A_187 = tpu.memref_squeeze %dma_wait3A_186 : memref<1x400xi32, #tpu.memory_space<vmem>> -> memref<400xi32, #tpu.memory_space<vmem>>
      %dma_wait3A_188 = arith.constant 0 : i32
      %dma_wait3A_189 = arith.constant 0 : i32
      %dma_wait3A_190 = tpu.memref_slice %arg3[%dma_wait3A_188, %dma_wait3A_189] : memref<1000000x64xf32, #tpu.memory_space<hbm>> -> memref<1000000x64xf32, #tpu.memory_space<hbm>>
      tpu.wait_indirect_dma semaphore(%arg11 : memref<!tpu.dma_semaphore, #tpu.memory_space<semaphore_mem>>) src(%dma_wait3A_190 : memref<1000000x64xf32, #tpu.memory_space<hbm>>) dst(%dma_wait3A_184 : memref<400x64xf32, #tpu.memory_space<vmem>>)
      %scan3A_191 = arith.constant 0 : i32
      %scan3A_192 = arith.constant 0 : i32
      %scan3A_193 = arith.constant 200 : i32
      %scan3A_194 = arith.addi %scan3A_192, %scan3A_193 : i32
      %scan3A_195 = arith.constant 1 : i32
      scf.for %scan3A_265 = %scan3A_192 to %scan3A_194 step %scan3A_195  : i32 {
        %get3A = arith.index_cast %scan3A_265 : i32 to index
        %get3A_266 = arith.constant 0 : index
        %get3A_267 = tpu.vector_load %arg6[%get3A, %get3A_266] {strides = array<i32>} : memref<200x64xf32, #tpu.memory_space<vmem>>, vector<1x16xf32>,
        %get3A_268 = vector.shape_cast %get3A_267 : vector<1x16xf32> to vector<16xf32>
        %add3A_269 = arith.constant 0 : i32
        %add3A_270 = arith.addi %add3A_269, %scan3A_265 : i32
        %swap3A = arith.constant 2 : i32
        %swap3A_271 = arith.index_cast %swap3A : i32 to index
        %swap3A_272 = arith.index_cast %add3A_270 : i32 to index
        %swap3A_273 = arith.constant 0 : index
        %swap3A_274 = tpu.vector_load %arg8[%swap3A_271, %swap3A_272, %swap3A_273] {strides = array<i32>} : memref<4x400x64xf32, #tpu.memory_space<vmem>>, vector<1x1x16xf32>,
        %swap3A_275 = vector.shape_cast %swap3A_274 : vector<1x1x16xf32> to vector<16xf32>
        %swap3A_276 = vector.shape_cast %get3A_268 : vector<16xf32> to vector<1x1x16xf32>
        tpu.vector_store %arg8[%swap3A_271, %swap3A_272, %swap3A_273], %swap3A_276 {add = true, strides = array<i32>} : memref<4x400x64xf32, #tpu.memory_space<vmem>>, vector<1x1x16xf32>,
        %add3A_277 = arith.constant 200 : i32
        %add3A_278 = arith.addi %add3A_277, %scan3A_265 : i32
        %swap3A_279 = arith.constant 2 : i32
        %swap3A_280 = arith.index_cast %swap3A_279 : i32 to index
        %swap3A_281 = arith.index_cast %add3A_278 : i32 to index
        %swap3A_282 = arith.constant 0 : index
        %swap3A_283 = tpu.vector_load %arg8[%swap3A_280, %swap3A_281, %swap3A_282] {strides = array<i32>} : memref<4x400x64xf32, #tpu.memory_space<vmem>>, vector<1x1x16xf32>,
        %swap3A_284 = vector.shape_cast %swap3A_283 : vector<1x1x16xf32> to vector<16xf32>
        %swap3A_285 = vector.shape_cast %get3A_268 : vector<16xf32> to vector<1x1x16xf32>
        tpu.vector_store %arg8[%swap3A_280, %swap3A_281, %swap3A_282], %swap3A_285 {add = true, strides = array<i32>} : memref<4x400x64xf32, #tpu.memory_space<vmem>>, vector<1x1x16xf32>,
        %get3A_286 = arith.index_cast %scan3A_265 : i32 to index
        %get3A_287 = arith.constant 16 : index
        %get3A_288 = tpu.vector_load %arg6[%get3A_286, %get3A_287] {strides = array<i32>} : memref<200x64xf32, #tpu.memory_space<vmem>>, vector<1x16xf32>,
        %get3A_289 = vector.shape_cast %get3A_288 : vector<1x16xf32> to vector<16xf32>
        %add3A_290 = arith.constant 0 : i32
        %add3A_291 = arith.addi %add3A_290, %scan3A_265 : i32
        %swap3A_292 = arith.constant 2 : i32
        %swap3A_293 = arith.index_cast %swap3A_292 : i32 to index
        %swap3A_294 = arith.index_cast %add3A_291 : i32 to index
        %swap3A_295 = arith.constant 16 : index
        %swap3A_296 = tpu.vector_load %arg8[%swap3A_293, %swap3A_294, %swap3A_295] {strides = array<i32>} : memref<4x400x64xf32, #tpu.memory_space<vmem>>, vector<1x1x16xf32>,
        %swap3A_297 = vector.shape_cast %swap3A_296 : vector<1x1x16xf32> to vector<16xf32>
        %swap3A_298 = vector.shape_cast %get3A_289 : vector<16xf32> to vector<1x1x16xf32>
        tpu.vector_store %arg8[%swap3A_293, %swap3A_294, %swap3A_295], %swap3A_298 {add = true, strides = array<i32>} : memref<4x400x64xf32, #tpu.memory_space<vmem>>, vector<1x1x16xf32>,
        %add3A_299 = arith.constant 200 : i32
        %add3A_300 = arith.addi %add3A_299, %scan3A_265 : i32
        %swap3A_301 = arith.constant 2 : i32
        %swap3A_302 = arith.index_cast %swap3A_301 : i32 to index
        %swap3A_303 = arith.index_cast %add3A_300 : i32 to index
        %swap3A_304 = arith.constant 16 : index
        %swap3A_305 = tpu.vector_load %arg8[%swap3A_302, %swap3A_303, %swap3A_304] {strides = array<i32>} : memref<4x400x64xf32, #tpu.memory_space<vmem>>, vector<1x1x16xf32>,
        %swap3A_306 = vector.shape_cast %swap3A_305 : vector<1x1x16xf32> to vector<16xf32>
        %swap3A_307 = vector.shape_cast %get3A_289 : vector<16xf32> to vector<1x1x16xf32>
        tpu.vector_store %arg8[%swap3A_302, %swap3A_303, %swap3A_304], %swap3A_307 {add = true, strides = array<i32>} : memref<4x400x64xf32, #tpu.memory_space<vmem>>, vector<1x1x16xf32>,
        %get3A_308 = arith.index_cast %scan3A_265 : i32 to index
        %get3A_309 = arith.constant 32 : index
        %get3A_310 = tpu.vector_load %arg6[%get3A_308, %get3A_309] {strides = array<i32>} : memref<200x64xf32, #tpu.memory_space<vmem>>, vector<1x16xf32>,
        %get3A_311 = vector.shape_cast %get3A_310 : vector<1x16xf32> to vector<16xf32>
        %add3A_312 = arith.constant 0 : i32
        %add3A_313 = arith.addi %add3A_312, %scan3A_265 : i32
        %swap3A_314 = arith.constant 2 : i32
        %swap3A_315 = arith.index_cast %swap3A_314 : i32 to index
        %swap3A_316 = arith.index_cast %add3A_313 : i32 to index
        %swap3A_317 = arith.constant 32 : index
        %swap3A_318 = tpu.vector_load %arg8[%swap3A_315, %swap3A_316, %swap3A_317] {strides = array<i32>} : memref<4x400x64xf32, #tpu.memory_space<vmem>>, vector<1x1x16xf32>,
        %swap3A_319 = vector.shape_cast %swap3A_318 : vector<1x1x16xf32> to vector<16xf32>
        %swap3A_320 = vector.shape_cast %get3A_311 : vector<16xf32> to vector<1x1x16xf32>
        tpu.vector_store %arg8[%swap3A_315, %swap3A_316, %swap3A_317], %swap3A_320 {add = true, strides = array<i32>} : memref<4x400x64xf32, #tpu.memory_space<vmem>>, vector<1x1x16xf32>,
        %add3A_321 = arith.constant 200 : i32
        %add3A_322 = arith.addi %add3A_321, %scan3A_265 : i32
        %swap3A_323 = arith.constant 2 : i32
        %swap3A_324 = arith.index_cast %swap3A_323 : i32 to index
        %swap3A_325 = arith.index_cast %add3A_322 : i32 to index
        %swap3A_326 = arith.constant 32 : index
        %swap3A_327 = tpu.vector_load %arg8[%swap3A_324, %swap3A_325, %swap3A_326] {strides = array<i32>} : memref<4x400x64xf32, #tpu.memory_space<vmem>>, vector<1x1x16xf32>,
        %swap3A_328 = vector.shape_cast %swap3A_327 : vector<1x1x16xf32> to vector<16xf32>
        %swap3A_329 = vector.shape_cast %get3A_311 : vector<16xf32> to vector<1x1x16xf32>
        tpu.vector_store %arg8[%swap3A_324, %swap3A_325, %swap3A_326], %swap3A_329 {add = true, strides = array<i32>} : memref<4x400x64xf32, #tpu.memory_space<vmem>>, vector<1x1x16xf32>,
        %get3A_330 = arith.index_cast %scan3A_265 : i32 to index
        %get3A_331 = arith.constant 48 : index
        %get3A_332 = tpu.vector_load %arg6[%get3A_330, %get3A_331] {strides = array<i32>} : memref<200x64xf32, #tpu.memory_space<vmem>>, vector<1x16xf32>,
        %get3A_333 = vector.shape_cast %get3A_332 : vector<1x16xf32> to vector<16xf32>
        %add3A_334 = arith.constant 0 : i32
        %add3A_335 = arith.addi %add3A_334, %scan3A_265 : i32
        %swap3A_336 = arith.constant 2 : i32
        %swap3A_337 = arith.index_cast %swap3A_336 : i32 to index
        %swap3A_338 = arith.index_cast %add3A_335 : i32 to index
        %swap3A_339 = arith.constant 48 : index
        %swap3A_340 = tpu.vector_load %arg8[%swap3A_337, %swap3A_338, %swap3A_339] {strides = array<i32>} : memref<4x400x64xf32, #tpu.memory_space<vmem>>, vector<1x1x16xf32>,
        %swap3A_341 = vector.shape_cast %swap3A_340 : vector<1x1x16xf32> to vector<16xf32>
        %swap3A_342 = vector.shape_cast %get3A_333 : vector<16xf32> to vector<1x1x16xf32>
        tpu.vector_store %arg8[%swap3A_337, %swap3A_338, %swap3A_339], %swap3A_342 {add = true, strides = array<i32>} : memref<4x400x64xf32, #tpu.memory_space<vmem>>, vector<1x1x16xf32>,
        %add3A_343 = arith.constant 200 : i32
        %add3A_344 = arith.addi %add3A_343, %scan3A_265 : i32
        %swap3A_345 = arith.constant 2 : i32
        %swap3A_346 = arith.index_cast %swap3A_345 : i32 to index
        %swap3A_347 = arith.index_cast %add3A_344 : i32 to index
        %swap3A_348 = arith.constant 48 : index
        %swap3A_349 = tpu.vector_load %arg8[%swap3A_346, %swap3A_347, %swap3A_348] {strides = array<i32>} : memref<4x400x64xf32, #tpu.memory_space<vmem>>, vector<1x1x16xf32>,
        %swap3A_350 = vector.shape_cast %swap3A_349 : vector<1x1x16xf32> to vector<16xf32>
        %swap3A_351 = vector.shape_cast %get3A_333 : vector<16xf32> to vector<1x1x16xf32>
        tpu.vector_store %arg8[%swap3A_346, %swap3A_347, %swap3A_348], %swap3A_351 {add = true, strides = array<i32>} : memref<4x400x64xf32, #tpu.memory_space<vmem>>, vector<1x1x16xf32>,
      }
      %scan3A_196 = arith.constant 200 : i32
      %mul3A_197 = arith.constant 400 : i32
      %mul3A_198 = arith.muli %add3A_178, %mul3A_197 : i32
      %add3A_199 = arith.addi %mul3A_2, %mul3A_198 : i32
      %dma_start3A_200 = arith.constant 2 : i32
      %dma_start3A_201 = arith.constant 0 : i32
      %dma_start3A_202 = arith.constant 0 : i32
      %dma_start3A_203 = tpu.memref_slice %arg8[%dma_start3A_200, %dma_start3A_201, %dma_start3A_202] : memref<4x400x64xf32, #tpu.memory_space<vmem>> -> memref<1x400x64xf32, #tpu.memory_space<vmem>>
      %dma_start3A_204 = tpu.memref_squeeze %dma_start3A_203 : memref<1x400x64xf32, #tpu.memory_space<vmem>> -> memref<400x64xf32, #tpu.memory_space<vmem>>
      %dma_start3A_205 = arith.constant 0 : i32
      %dma_start3A_206 = tpu.memref_slice %arg5[%add3A_199, %dma_start3A_205] : memref<819200x64xf32, #tpu.memory_space<hbm>> -> memref<400x64xf32, #tpu.memory_space<hbm>>
      %dma_start3A_207 = arith.constant 0 : i32
      %dma_start3A_208 = tpu.memref_slice %arg5[%add3A_199, %dma_start3A_207] : memref<819200x64xf32, #tpu.memory_space<hbm>> -> memref<400x64xf32, #tpu.memory_space<hbm>>
      %dma_start3A_209 = arith.constant 0 : i32
      %dma_start3A_210 = arith.constant 0 : i32
      %dma_start3A_211 = tpu.memref_slice %arg8[%dma_start3A_200, %dma_start3A_209, %dma_start3A_210] : memref<4x400x64xf32, #tpu.memory_space<vmem>> -> memref<1x400x64xf32, #tpu.memory_space<vmem>>
      %dma_start3A_212 = tpu.memref_squeeze %dma_start3A_211 : memref<1x400x64xf32, #tpu.memory_space<vmem>> -> memref<400x64xf32, #tpu.memory_space<vmem>>
      tpu.enqueue_dma source(%dma_start3A_212 : memref<400x64xf32, #tpu.memory_space<vmem>>) target(%dma_start3A_208 : memref<400x64xf32, #tpu.memory_space<hbm>>) target_semaphore(%arg15 : memref<!tpu.dma_semaphore, #tpu.memory_space<semaphore_mem>>)
      %add3A_213 = arith.constant 2 : i32
      %add3A_214 = arith.addi %add3A_178, %add3A_213 : i32
      %lt3A_215 = arith.constant 64 : i32
      %lt3A_216 = arith.cmpi slt, %add3A_214, %lt3A_215 : i32
      %convert_element_type3A_217 = arith.extui %lt3A_216 : i1 to i32
      %cond3A_218 = arith.constant 0 : i32
      %cond3A_219 = arith.cmpi ne, %convert_element_type3A_217, %cond3A_218 : i32
      scf.if %cond3A_219 {
        %ge3A = arith.constant 2 : i32
        %ge3A_265 = arith.cmpi sge, %add3A_178, %ge3A : i32
        %convert_element_type3A_266 = arith.extui %ge3A_265 : i1 to i32
        %cond3A_267 = arith.constant 0 : i32
        %cond3A_268 = arith.cmpi ne, %convert_element_type3A_266, %cond3A_267 : i32
        scf.if %cond3A_268 {
          %dma_wait3A_287 = arith.constant 0 : i32
          %dma_wait3A_288 = arith.constant 0 : i32
          %dma_wait3A_289 = arith.constant 0 : i32
          %dma_wait3A_290 = tpu.memref_slice %arg8[%dma_wait3A_287, %dma_wait3A_288, %dma_wait3A_289] : memref<4x400x64xf32, #tpu.memory_space<vmem>> -> memref<1x400x64xf32, #tpu.memory_space<vmem>>
          %dma_wait3A_291 = tpu.memref_squeeze %dma_wait3A_290 : memref<1x400x64xf32, #tpu.memory_space<vmem>> -> memref<400x64xf32, #tpu.memory_space<vmem>>
          %dma_wait3A_292 = arith.constant 0 : i32
          %dma_wait3A_293 = tpu.memref_slice %arg5[%mul3A_2, %dma_wait3A_292] : memref<819200x64xf32, #tpu.memory_space<hbm>> -> memref<400x64xf32, #tpu.memory_space<hbm>>
          %dma_wait3A_294 = arith.constant 0 : i32
          %dma_wait3A_295 = tpu.memref_slice %arg5[%mul3A_2, %dma_wait3A_294] : memref<819200x64xf32, #tpu.memory_space<hbm>> -> memref<400x64xf32, #tpu.memory_space<hbm>>
          %dma_wait3A_296 = arith.constant 0 : i32
          %dma_wait3A_297 = arith.constant 0 : i32
          %dma_wait3A_298 = tpu.memref_slice %arg8[%dma_wait3A_287, %dma_wait3A_296, %dma_wait3A_297] : memref<4x400x64xf32, #tpu.memory_space<vmem>> -> memref<1x400x64xf32, #tpu.memory_space<vmem>>
          %dma_wait3A_299 = tpu.memref_squeeze %dma_wait3A_298 : memref<1x400x64xf32, #tpu.memory_space<vmem>> -> memref<400x64xf32, #tpu.memory_space<vmem>>
          tpu.wait_dma2 semaphore(%arg13 : memref<!tpu.dma_semaphore, #tpu.memory_space<semaphore_mem>>) src(%dma_wait3A_299 : memref<400x64xf32, #tpu.memory_space<vmem>>) dst(%dma_wait3A_295 : memref<400x64xf32, #tpu.memory_space<hbm>>)
        } else {
        }
        %add3A_269 = arith.constant 2 : i32
        %add3A_270 = arith.addi %add3A_178, %add3A_269 : i32
        %mul3A_271 = arith.constant 400 : i32
        %mul3A_272 = arith.muli %add3A_270, %mul3A_271 : i32
        %add3A_273 = arith.addi %mul3A_2, %mul3A_272 : i32
        %run_scoped3A_274 = arith.constant 0 : i32
        "tpu.region"() ({
          %run_scoped3A_287 = tpu.sem_alloc : memref<!tpu.dma_semaphore, #tpu.memory_space<semaphore_mem>>
          %dma_start3A_288 = arith.constant 0 : i32
          %dma_start3A_289 = tpu.memref_slice %arg7[%run_scoped3A_274, %dma_start3A_288] : memref<4x400xi32, #tpu.memory_space<vmem>> -> memref<1x400xi32, #tpu.memory_space<vmem>>
          %dma_start3A_290 = tpu.memref_squeeze %dma_start3A_289 : memref<1x400xi32, #tpu.memory_space<vmem>> -> memref<400xi32, #tpu.memory_space<vmem>>
          %dma_start3A_291 = tpu.memref_slice %arg2[%add3A_273] : memref<819200xi32, #tpu.memory_space<hbm>> -> memref<400xi32, #tpu.memory_space<hbm>>
          %dma_start3A_292 = arith.constant 0 : i32
          %dma_start3A_293 = tpu.memref_slice %arg7[%run_scoped3A_274, %dma_start3A_292] : memref<4x400xi32, #tpu.memory_space<vmem>> -> memref<1x400xi32, #tpu.memory_space<vmem>>
          %dma_start3A_294 = tpu.memref_squeeze %dma_start3A_293 : memref<1x400xi32, #tpu.memory_space<vmem>> -> memref<400xi32, #tpu.memory_space<vmem>>
          %dma_start3A_295 = tpu.memref_slice %arg2[%add3A_273] : memref<819200xi32, #tpu.memory_space<hbm>> -> memref<400xi32, #tpu.memory_space<hbm>>
          tpu.enqueue_dma source(%dma_start3A_295 : memref<400xi32, #tpu.memory_space<hbm>>) target(%dma_start3A_294 : memref<400xi32, #tpu.memory_space<vmem>>) target_semaphore(%run_scoped3A_287 : memref<!tpu.dma_semaphore, #tpu.memory_space<semaphore_mem>>)
          %dma_wait3A_296 = arith.constant 0 : i32
          %dma_wait3A_297 = tpu.memref_slice %arg7[%run_scoped3A_274, %dma_wait3A_296] : memref<4x400xi32, #tpu.memory_space<vmem>> -> memref<1x400xi32, #tpu.memory_space<vmem>>
          %dma_wait3A_298 = tpu.memref_squeeze %dma_wait3A_297 : memref<1x400xi32, #tpu.memory_space<vmem>> -> memref<400xi32, #tpu.memory_space<vmem>>
          %dma_wait3A_299 = tpu.memref_slice %arg2[%add3A_273] : memref<819200xi32, #tpu.memory_space<hbm>> -> memref<400xi32, #tpu.memory_space<hbm>>
          %dma_wait3A_300 = arith.constant 0 : i32
          %dma_wait3A_301 = tpu.memref_slice %arg7[%run_scoped3A_274, %dma_wait3A_300] : memref<4x400xi32, #tpu.memory_space<vmem>> -> memref<1x400xi32, #tpu.memory_space<vmem>>
          %dma_wait3A_302 = tpu.memref_squeeze %dma_wait3A_301 : memref<1x400xi32, #tpu.memory_space<vmem>> -> memref<400xi32, #tpu.memory_space<vmem>>
          %dma_wait3A_303 = tpu.memref_slice %arg2[%add3A_273] : memref<819200xi32, #tpu.memory_space<hbm>> -> memref<400xi32, #tpu.memory_space<hbm>>
          tpu.wait_dma2 semaphore(%run_scoped3A_287 : memref<!tpu.dma_semaphore, #tpu.memory_space<semaphore_mem>>) src(%dma_wait3A_303 : memref<400xi32, #tpu.memory_space<hbm>>) dst(%dma_wait3A_302 : memref<400xi32, #tpu.memory_space<vmem>>)
          tpu.yield
        }) : () -> ()
        %dma_start3A_275 = arith.constant 0 : i32
        %dma_start3A_276 = arith.constant 0 : i32
        %dma_start3A_277 = arith.constant 0 : i32
        %dma_start3A_278 = arith.constant 0 : i32
        %dma_start3A_279 = tpu.memref_slice %arg8[%dma_start3A_276, %dma_start3A_277, %dma_start3A_278] : memref<4x400x64xf32, #tpu.memory_space<vmem>> -> memref<1x400x64xf32, #tpu.memory_space<vmem>>
        %dma_start3A_280 = tpu.memref_squeeze %dma_start3A_279 : memref<1x400x64xf32, #tpu.memory_space<vmem>> -> memref<400x64xf32, #tpu.memory_space<vmem>>
        %dma_start3A_281 = arith.constant 0 : i32
        %dma_start3A_282 = tpu.memref_slice %arg7[%dma_start3A_275, %dma_start3A_281] : memref<4x400xi32, #tpu.memory_space<vmem>> -> memref<1x400xi32, #tpu.memory_space<vmem>>
        %dma_start3A_283 = tpu.memref_squeeze %dma_start3A_282 : memref<1x400xi32, #tpu.memory_space<vmem>> -> memref<400xi32, #tpu.memory_space<vmem>>
        %dma_start3A_284 = arith.constant 0 : i32
        %dma_start3A_285 = arith.constant 0 : i32
        %dma_start3A_286 = tpu.memref_slice %arg3[%dma_start3A_284, %dma_start3A_285] : memref<1000000x64xf32, #tpu.memory_space<hbm>> -> memref<1000000x64xf32, #tpu.memory_space<hbm>>
        tpu.enqueue_indirect_dma source(%dma_start3A_286 : memref<1000000x64xf32, #tpu.memory_space<hbm>>) target(%dma_start3A_280 : memref<400x64xf32, #tpu.memory_space<vmem>>) offsets(%dma_start3A_283 : memref<400xi32, #tpu.memory_space<vmem>>) semaphore(%arg9 : memref<!tpu.dma_semaphore, #tpu.memory_space<semaphore_mem>>)
      } else {
      }
      %mul3A_220 = arith.constant 4 : i32
      %mul3A_221 = arith.muli %scan3A_87, %mul3A_220 : i32
      %add3A_222 = arith.constant 3 : i32
      %add3A_223 = arith.addi %mul3A_221, %add3A_222 : i32
      %dma_wait3A_224 = arith.constant 3 : i32
      %dma_wait3A_225 = arith.constant 3 : i32
      %dma_wait3A_226 = arith.constant 0 : i32
      %dma_wait3A_227 = arith.constant 0 : i32
      %dma_wait3A_228 = tpu.memref_slice %arg8[%dma_wait3A_225, %dma_wait3A_226, %dma_wait3A_227] : memref<4x400x64xf32, #tpu.memory_space<vmem>> -> memref<1x400x64xf32, #tpu.memory_space<vmem>>
      %dma_wait3A_229 = tpu.memref_squeeze %dma_wait3A_228 : memref<1x400x64xf32, #tpu.memory_space<vmem>> -> memref<400x64xf32, #tpu.memory_space<vmem>>
      %dma_wait3A_230 = arith.constant 0 : i32
      %dma_wait3A_231 = tpu.memref_slice %arg7[%dma_wait3A_224, %dma_wait3A_230] : memref<4x400xi32, #tpu.memory_space<vmem>> -> memref<1x400xi32, #tpu.memory_space<vmem>>
      %dma_wait3A_232 = tpu.memref_squeeze %dma_wait3A_231 : memref<1x400xi32, #tpu.memory_space<vmem>> -> memref<400xi32, #tpu.memory_space<vmem>>
      %dma_wait3A_233 = arith.constant 0 : i32
      %dma_wait3A_234 = arith.constant 0 : i32
      %dma_wait3A_235 = tpu.memref_slice %arg3[%dma_wait3A_233, %dma_wait3A_234] : memref<1000000x64xf32, #tpu.memory_space<hbm>> -> memref<1000000x64xf32, #tpu.memory_space<hbm>>
      tpu.wait_indirect_dma semaphore(%arg12 : memref<!tpu.dma_semaphore, #tpu.memory_space<semaphore_mem>>) src(%dma_wait3A_235 : memref<1000000x64xf32, #tpu.memory_space<hbm>>) dst(%dma_wait3A_229 : memref<400x64xf32, #tpu.memory_space<vmem>>)
      %scan3A_236 = arith.constant 0 : i32
      %scan3A_237 = arith.constant 0 : i32
      %scan3A_238 = arith.constant 200 : i32
      %scan3A_239 = arith.addi %scan3A_237, %scan3A_238 : i32
      %scan3A_240 = arith.constant 1 : i32
      scf.for %scan3A_265 = %scan3A_237 to %scan3A_239 step %scan3A_240  : i32 {
        %get3A = arith.index_cast %scan3A_265 : i32 to index
        %get3A_266 = arith.constant 0 : index
        %get3A_267 = tpu.vector_load %arg6[%get3A, %get3A_266] {strides = array<i32>} : memref<200x64xf32, #tpu.memory_space<vmem>>, vector<1x16xf32>,
        %get3A_268 = vector.shape_cast %get3A_267 : vector<1x16xf32> to vector<16xf32>
        %add3A_269 = arith.constant 0 : i32
        %add3A_270 = arith.addi %add3A_269, %scan3A_265 : i32
        %swap3A = arith.constant 3 : i32
        %swap3A_271 = arith.index_cast %swap3A : i32 to index
        %swap3A_272 = arith.index_cast %add3A_270 : i32 to index
        %swap3A_273 = arith.constant 0 : index
        %swap3A_274 = tpu.vector_load %arg8[%swap3A_271, %swap3A_272, %swap3A_273] {strides = array<i32>} : memref<4x400x64xf32, #tpu.memory_space<vmem>>, vector<1x1x16xf32>,
        %swap3A_275 = vector.shape_cast %swap3A_274 : vector<1x1x16xf32> to vector<16xf32>
        %swap3A_276 = vector.shape_cast %get3A_268 : vector<16xf32> to vector<1x1x16xf32>
        tpu.vector_store %arg8[%swap3A_271, %swap3A_272, %swap3A_273], %swap3A_276 {add = true, strides = array<i32>} : memref<4x400x64xf32, #tpu.memory_space<vmem>>, vector<1x1x16xf32>,
        %add3A_277 = arith.constant 200 : i32
        %add3A_278 = arith.addi %add3A_277, %scan3A_265 : i32
        %swap3A_279 = arith.constant 3 : i32
        %swap3A_280 = arith.index_cast %swap3A_279 : i32 to index
        %swap3A_281 = arith.index_cast %add3A_278 : i32 to index
        %swap3A_282 = arith.constant 0 : index
        %swap3A_283 = tpu.vector_load %arg8[%swap3A_280, %swap3A_281, %swap3A_282] {strides = array<i32>} : memref<4x400x64xf32, #tpu.memory_space<vmem>>, vector<1x1x16xf32>,
        %swap3A_284 = vector.shape_cast %swap3A_283 : vector<1x1x16xf32> to vector<16xf32>
        %swap3A_285 = vector.shape_cast %get3A_268 : vector<16xf32> to vector<1x1x16xf32>
        tpu.vector_store %arg8[%swap3A_280, %swap3A_281, %swap3A_282], %swap3A_285 {add = true, strides = array<i32>} : memref<4x400x64xf32, #tpu.memory_space<vmem>>, vector<1x1x16xf32>,
        %get3A_286 = arith.index_cast %scan3A_265 : i32 to index
        %get3A_287 = arith.constant 16 : index
        %get3A_288 = tpu.vector_load %arg6[%get3A_286, %get3A_287] {strides = array<i32>} : memref<200x64xf32, #tpu.memory_space<vmem>>, vector<1x16xf32>,
        %get3A_289 = vector.shape_cast %get3A_288 : vector<1x16xf32> to vector<16xf32>
        %add3A_290 = arith.constant 0 : i32
        %add3A_291 = arith.addi %add3A_290, %scan3A_265 : i32
        %swap3A_292 = arith.constant 3 : i32
        %swap3A_293 = arith.index_cast %swap3A_292 : i32 to index
        %swap3A_294 = arith.index_cast %add3A_291 : i32 to index
        %swap3A_295 = arith.constant 16 : index
        %swap3A_296 = tpu.vector_load %arg8[%swap3A_293, %swap3A_294, %swap3A_295] {strides = array<i32>} : memref<4x400x64xf32, #tpu.memory_space<vmem>>, vector<1x1x16xf32>,
        %swap3A_297 = vector.shape_cast %swap3A_296 : vector<1x1x16xf32> to vector<16xf32>
        %swap3A_298 = vector.shape_cast %get3A_289 : vector<16xf32> to vector<1x1x16xf32>
        tpu.vector_store %arg8[%swap3A_293, %swap3A_294, %swap3A_295], %swap3A_298 {add = true, strides = array<i32>} : memref<4x400x64xf32, #tpu.memory_space<vmem>>, vector<1x1x16xf32>,
        %add3A_299 = arith.constant 200 : i32
        %add3A_300 = arith.addi %add3A_299, %scan3A_265 : i32
        %swap3A_301 = arith.constant 3 : i32
        %swap3A_302 = arith.index_cast %swap3A_301 : i32 to index
        %swap3A_303 = arith.index_cast %add3A_300 : i32 to index
        %swap3A_304 = arith.constant 16 : index
        %swap3A_305 = tpu.vector_load %arg8[%swap3A_302, %swap3A_303, %swap3A_304] {strides = array<i32>} : memref<4x400x64xf32, #tpu.memory_space<vmem>>, vector<1x1x16xf32>,
        %swap3A_306 = vector.shape_cast %swap3A_305 : vector<1x1x16xf32> to vector<16xf32>
        %swap3A_307 = vector.shape_cast %get3A_289 : vector<16xf32> to vector<1x1x16xf32>
        tpu.vector_store %arg8[%swap3A_302, %swap3A_303, %swap3A_304], %swap3A_307 {add = true, strides = array<i32>} : memref<4x400x64xf32, #tpu.memory_space<vmem>>, vector<1x1x16xf32>,
        %get3A_308 = arith.index_cast %scan3A_265 : i32 to index
        %get3A_309 = arith.constant 32 : index
        %get3A_310 = tpu.vector_load %arg6[%get3A_308, %get3A_309] {strides = array<i32>} : memref<200x64xf32, #tpu.memory_space<vmem>>, vector<1x16xf32>,
        %get3A_311 = vector.shape_cast %get3A_310 : vector<1x16xf32> to vector<16xf32>
        %add3A_312 = arith.constant 0 : i32
        %add3A_313 = arith.addi %add3A_312, %scan3A_265 : i32
        %swap3A_314 = arith.constant 3 : i32
        %swap3A_315 = arith.index_cast %swap3A_314 : i32 to index
        %swap3A_316 = arith.index_cast %add3A_313 : i32 to index
        %swap3A_317 = arith.constant 32 : index
        %swap3A_318 = tpu.vector_load %arg8[%swap3A_315, %swap3A_316, %swap3A_317] {strides = array<i32>} : memref<4x400x64xf32, #tpu.memory_space<vmem>>, vector<1x1x16xf32>,
        %swap3A_319 = vector.shape_cast %swap3A_318 : vector<1x1x16xf32> to vector<16xf32>
        %swap3A_320 = vector.shape_cast %get3A_311 : vector<16xf32> to vector<1x1x16xf32>
        tpu.vector_store %arg8[%swap3A_315, %swap3A_316, %swap3A_317], %swap3A_320 {add = true, strides = array<i32>} : memref<4x400x64xf32, #tpu.memory_space<vmem>>, vector<1x1x16xf32>,
        %add3A_321 = arith.constant 200 : i32
        %add3A_322 = arith.addi %add3A_321, %scan3A_265 : i32
        %swap3A_323 = arith.constant 3 : i32
        %swap3A_324 = arith.index_cast %swap3A_323 : i32 to index
        %swap3A_325 = arith.index_cast %add3A_322 : i32 to index
        %swap3A_326 = arith.constant 32 : index
        %swap3A_327 = tpu.vector_load %arg8[%swap3A_324, %swap3A_325, %swap3A_326] {strides = array<i32>} : memref<4x400x64xf32, #tpu.memory_space<vmem>>, vector<1x1x16xf32>,
        %swap3A_328 = vector.shape_cast %swap3A_327 : vector<1x1x16xf32> to vector<16xf32>
        %swap3A_329 = vector.shape_cast %get3A_311 : vector<16xf32> to vector<1x1x16xf32>
        tpu.vector_store %arg8[%swap3A_324, %swap3A_325, %swap3A_326], %swap3A_329 {add = true, strides = array<i32>} : memref<4x400x64xf32, #tpu.memory_space<vmem>>, vector<1x1x16xf32>,
        %get3A_330 = arith.index_cast %scan3A_265 : i32 to index
        %get3A_331 = arith.constant 48 : index
        %get3A_332 = tpu.vector_load %arg6[%get3A_330, %get3A_331] {strides = array<i32>} : memref<200x64xf32, #tpu.memory_space<vmem>>, vector<1x16xf32>,
        %get3A_333 = vector.shape_cast %get3A_332 : vector<1x16xf32> to vector<16xf32>
        %add3A_334 = arith.constant 0 : i32
        %add3A_335 = arith.addi %add3A_334, %scan3A_265 : i32
        %swap3A_336 = arith.constant 3 : i32
        %swap3A_337 = arith.index_cast %swap3A_336 : i32 to index
        %swap3A_338 = arith.index_cast %add3A_335 : i32 to index
        %swap3A_339 = arith.constant 48 : index
        %swap3A_340 = tpu.vector_load %arg8[%swap3A_337, %swap3A_338, %swap3A_339] {strides = array<i32>} : memref<4x400x64xf32, #tpu.memory_space<vmem>>, vector<1x1x16xf32>,
        %swap3A_341 = vector.shape_cast %swap3A_340 : vector<1x1x16xf32> to vector<16xf32>
        %swap3A_342 = vector.shape_cast %get3A_333 : vector<16xf32> to vector<1x1x16xf32>
        tpu.vector_store %arg8[%swap3A_337, %swap3A_338, %swap3A_339], %swap3A_342 {add = true, strides = array<i32>} : memref<4x400x64xf32, #tpu.memory_space<vmem>>, vector<1x1x16xf32>,
        %add3A_343 = arith.constant 200 : i32
        %add3A_344 = arith.addi %add3A_343, %scan3A_265 : i32
        %swap3A_345 = arith.constant 3 : i32
        %swap3A_346 = arith.index_cast %swap3A_345 : i32 to index
        %swap3A_347 = arith.index_cast %add3A_344 : i32 to index
        %swap3A_348 = arith.constant 48 : index
        %swap3A_349 = tpu.vector_load %arg8[%swap3A_346, %swap3A_347, %swap3A_348] {strides = array<i32>} : memref<4x400x64xf32, #tpu.memory_space<vmem>>, vector<1x1x16xf32>,
        %swap3A_350 = vector.shape_cast %swap3A_349 : vector<1x1x16xf32> to vector<16xf32>
        %swap3A_351 = vector.shape_cast %get3A_333 : vector<16xf32> to vector<1x1x16xf32>
        tpu.vector_store %arg8[%swap3A_346, %swap3A_347, %swap3A_348], %swap3A_351 {add = true, strides = array<i32>} : memref<4x400x64xf32, #tpu.memory_space<vmem>>, vector<1x1x16xf32>,
      }
      %scan3A_241 = arith.constant 200 : i32
      %mul3A_242 = arith.constant 400 : i32
      %mul3A_243 = arith.muli %add3A_223, %mul3A_242 : i32
      %add3A_244 = arith.addi %mul3A_2, %mul3A_243 : i32
      %dma_start3A_245 = arith.constant 3 : i32
      %dma_start3A_246 = arith.constant 0 : i32
      %dma_start3A_247 = arith.constant 0 : i32
      %dma_start3A_248 = tpu.memref_slice %arg8[%dma_start3A_245, %dma_start3A_246, %dma_start3A_247] : memref<4x400x64xf32, #tpu.memory_space<vmem>> -> memref<1x400x64xf32, #tpu.memory_space<vmem>>
      %dma_start3A_249 = tpu.memref_squeeze %dma_start3A_248 : memref<1x400x64xf32, #tpu.memory_space<vmem>> -> memref<400x64xf32, #tpu.memory_space<vmem>>
      %dma_start3A_250 = arith.constant 0 : i32
      %dma_start3A_251 = tpu.memref_slice %arg5[%add3A_244, %dma_start3A_250] : memref<819200x64xf32, #tpu.memory_space<hbm>> -> memref<400x64xf32, #tpu.memory_space<hbm>>
      %dma_start3A_252 = arith.constant 0 : i32
      %dma_start3A_253 = tpu.memref_slice %arg5[%add3A_244, %dma_start3A_252] : memref<819200x64xf32, #tpu.memory_space<hbm>> -> memref<400x64xf32, #tpu.memory_space<hbm>>
      %dma_start3A_254 = arith.constant 0 : i32
      %dma_start3A_255 = arith.constant 0 : i32
      %dma_start3A_256 = tpu.memref_slice %arg8[%dma_start3A_245, %dma_start3A_254, %dma_start3A_255] : memref<4x400x64xf32, #tpu.memory_space<vmem>> -> memref<1x400x64xf32, #tpu.memory_space<vmem>>
      %dma_start3A_257 = tpu.memref_squeeze %dma_start3A_256 : memref<1x400x64xf32, #tpu.memory_space<vmem>> -> memref<400x64xf32, #tpu.memory_space<vmem>>
      tpu.enqueue_dma source(%dma_start3A_257 : memref<400x64xf32, #tpu.memory_space<vmem>>) target(%dma_start3A_253 : memref<400x64xf32, #tpu.memory_space<hbm>>) target_semaphore(%arg16 : memref<!tpu.dma_semaphore, #tpu.memory_space<semaphore_mem>>)
      %add3A_258 = arith.constant 2 : i32
      %add3A_259 = arith.addi %add3A_223, %add3A_258 : i32
      %lt3A_260 = arith.constant 64 : i32
      %lt3A_261 = arith.cmpi slt, %add3A_259, %lt3A_260 : i32
      %convert_element_type3A_262 = arith.extui %lt3A_261 : i1 to i32
      %cond3A_263 = arith.constant 0 : i32
      %cond3A_264 = arith.cmpi ne, %convert_element_type3A_262, %cond3A_263 : i32
      scf.if %cond3A_264 {
        %ge3A = arith.constant 2 : i32
        %ge3A_265 = arith.cmpi sge, %add3A_223, %ge3A : i32
        %convert_element_type3A_266 = arith.extui %ge3A_265 : i1 to i32
        %cond3A_267 = arith.constant 0 : i32
        %cond3A_268 = arith.cmpi ne, %convert_element_type3A_266, %cond3A_267 : i32
        scf.if %cond3A_268 {
          %dma_wait3A_287 = arith.constant 1 : i32
          %dma_wait3A_288 = arith.constant 0 : i32
          %dma_wait3A_289 = arith.constant 0 : i32
          %dma_wait3A_290 = tpu.memref_slice %arg8[%dma_wait3A_287, %dma_wait3A_288, %dma_wait3A_289] : memref<4x400x64xf32, #tpu.memory_space<vmem>> -> memref<1x400x64xf32, #tpu.memory_space<vmem>>
          %dma_wait3A_291 = tpu.memref_squeeze %dma_wait3A_290 : memref<1x400x64xf32, #tpu.memory_space<vmem>> -> memref<400x64xf32, #tpu.memory_space<vmem>>
          %dma_wait3A_292 = arith.constant 0 : i32
          %dma_wait3A_293 = tpu.memref_slice %arg5[%mul3A_2, %dma_wait3A_292] : memref<819200x64xf32, #tpu.memory_space<hbm>> -> memref<400x64xf32, #tpu.memory_space<hbm>>
          %dma_wait3A_294 = arith.constant 0 : i32
          %dma_wait3A_295 = tpu.memref_slice %arg5[%mul3A_2, %dma_wait3A_294] : memref<819200x64xf32, #tpu.memory_space<hbm>> -> memref<400x64xf32, #tpu.memory_space<hbm>>
          %dma_wait3A_296 = arith.constant 0 : i32
          %dma_wait3A_297 = arith.constant 0 : i32
          %dma_wait3A_298 = tpu.memref_slice %arg8[%dma_wait3A_287, %dma_wait3A_296, %dma_wait3A_297] : memref<4x400x64xf32, #tpu.memory_space<vmem>> -> memref<1x400x64xf32, #tpu.memory_space<vmem>>
          %dma_wait3A_299 = tpu.memref_squeeze %dma_wait3A_298 : memref<1x400x64xf32, #tpu.memory_space<vmem>> -> memref<400x64xf32, #tpu.memory_space<vmem>>
          tpu.wait_dma2 semaphore(%arg14 : memref<!tpu.dma_semaphore, #tpu.memory_space<semaphore_mem>>) src(%dma_wait3A_299 : memref<400x64xf32, #tpu.memory_space<vmem>>) dst(%dma_wait3A_295 : memref<400x64xf32, #tpu.memory_space<hbm>>)
        } else {
        }
        %add3A_269 = arith.constant 2 : i32
        %add3A_270 = arith.addi %add3A_223, %add3A_269 : i32
        %mul3A_271 = arith.constant 400 : i32
        %mul3A_272 = arith.muli %add3A_270, %mul3A_271 : i32
        %add3A_273 = arith.addi %mul3A_2, %mul3A_272 : i32
        %run_scoped3A_274 = arith.constant 1 : i32
        "tpu.region"() ({
          %run_scoped3A_287 = tpu.sem_alloc : memref<!tpu.dma_semaphore, #tpu.memory_space<semaphore_mem>>
          %dma_start3A_288 = arith.constant 0 : i32
          %dma_start3A_289 = tpu.memref_slice %arg7[%run_scoped3A_274, %dma_start3A_288] : memref<4x400xi32, #tpu.memory_space<vmem>> -> memref<1x400xi32, #tpu.memory_space<vmem>>
          %dma_start3A_290 = tpu.memref_squeeze %dma_start3A_289 : memref<1x400xi32, #tpu.memory_space<vmem>> -> memref<400xi32, #tpu.memory_space<vmem>>
          %dma_start3A_291 = tpu.memref_slice %arg2[%add3A_273] : memref<819200xi32, #tpu.memory_space<hbm>> -> memref<400xi32, #tpu.memory_space<hbm>>
          %dma_start3A_292 = arith.constant 0 : i32
          %dma_start3A_293 = tpu.memref_slice %arg7[%run_scoped3A_274, %dma_start3A_292] : memref<4x400xi32, #tpu.memory_space<vmem>> -> memref<1x400xi32, #tpu.memory_space<vmem>>
          %dma_start3A_294 = tpu.memref_squeeze %dma_start3A_293 : memref<1x400xi32, #tpu.memory_space<vmem>> -> memref<400xi32, #tpu.memory_space<vmem>>
          %dma_start3A_295 = tpu.memref_slice %arg2[%add3A_273] : memref<819200xi32, #tpu.memory_space<hbm>> -> memref<400xi32, #tpu.memory_space<hbm>>
          tpu.enqueue_dma source(%dma_start3A_295 : memref<400xi32, #tpu.memory_space<hbm>>) target(%dma_start3A_294 : memref<400xi32, #tpu.memory_space<vmem>>) target_semaphore(%run_scoped3A_287 : memref<!tpu.dma_semaphore, #tpu.memory_space<semaphore_mem>>)
          %dma_wait3A_296 = arith.constant 0 : i32
          %dma_wait3A_297 = tpu.memref_slice %arg7[%run_scoped3A_274, %dma_wait3A_296] : memref<4x400xi32, #tpu.memory_space<vmem>> -> memref<1x400xi32, #tpu.memory_space<vmem>>
          %dma_wait3A_298 = tpu.memref_squeeze %dma_wait3A_297 : memref<1x400xi32, #tpu.memory_space<vmem>> -> memref<400xi32, #tpu.memory_space<vmem>>
          %dma_wait3A_299 = tpu.memref_slice %arg2[%add3A_273] : memref<819200xi32, #tpu.memory_space<hbm>> -> memref<400xi32, #tpu.memory_space<hbm>>
          %dma_wait3A_300 = arith.constant 0 : i32
          %dma_wait3A_301 = tpu.memref_slice %arg7[%run_scoped3A_274, %dma_wait3A_300] : memref<4x400xi32, #tpu.memory_space<vmem>> -> memref<1x400xi32, #tpu.memory_space<vmem>>
          %dma_wait3A_302 = tpu.memref_squeeze %dma_wait3A_301 : memref<1x400xi32, #tpu.memory_space<vmem>> -> memref<400xi32, #tpu.memory_space<vmem>>
          %dma_wait3A_303 = tpu.memref_slice %arg2[%add3A_273] : memref<819200xi32, #tpu.memory_space<hbm>> -> memref<400xi32, #tpu.memory_space<hbm>>
          tpu.wait_dma2 semaphore(%run_scoped3A_287 : memref<!tpu.dma_semaphore, #tpu.memory_space<semaphore_mem>>) src(%dma_wait3A_303 : memref<400xi32, #tpu.memory_space<hbm>>) dst(%dma_wait3A_302 : memref<400xi32, #tpu.memory_space<vmem>>)
          tpu.yield
        }) : () -> ()
        %dma_start3A_275 = arith.constant 1 : i32
        %dma_start3A_276 = arith.constant 1 : i32
        %dma_start3A_277 = arith.constant 0 : i32
        %dma_start3A_278 = arith.constant 0 : i32
        %dma_start3A_279 = tpu.memref_slice %arg8[%dma_start3A_276, %dma_start3A_277, %dma_start3A_278] : memref<4x400x64xf32, #tpu.memory_space<vmem>> -> memref<1x400x64xf32, #tpu.memory_space<vmem>>
        %dma_start3A_280 = tpu.memref_squeeze %dma_start3A_279 : memref<1x400x64xf32, #tpu.memory_space<vmem>> -> memref<400x64xf32, #tpu.memory_space<vmem>>
        %dma_start3A_281 = arith.constant 0 : i32
        %dma_start3A_282 = tpu.memref_slice %arg7[%dma_start3A_275, %dma_start3A_281] : memref<4x400xi32, #tpu.memory_space<vmem>> -> memref<1x400xi32, #tpu.memory_space<vmem>>
        %dma_start3A_283 = tpu.memref_squeeze %dma_start3A_282 : memref<1x400xi32, #tpu.memory_space<vmem>> -> memref<400xi32, #tpu.memory_space<vmem>>
        %dma_start3A_284 = arith.constant 0 : i32
        %dma_start3A_285 = arith.constant 0 : i32
        %dma_start3A_286 = tpu.memref_slice %arg3[%dma_start3A_284, %dma_start3A_285] : memref<1000000x64xf32, #tpu.memory_space<hbm>> -> memref<1000000x64xf32, #tpu.memory_space<hbm>>
        tpu.enqueue_indirect_dma source(%dma_start3A_286 : memref<1000000x64xf32, #tpu.memory_space<hbm>>) target(%dma_start3A_280 : memref<400x64xf32, #tpu.memory_space<vmem>>) offsets(%dma_start3A_283 : memref<400xi32, #tpu.memory_space<vmem>>) semaphore(%arg10 : memref<!tpu.dma_semaphore, #tpu.memory_space<semaphore_mem>>)
      } else {
      }
    }
    %scan3A_35 = arith.constant 16 : i32
    %dma_wait3A = arith.constant 0 : i32
    %dma_wait3A_36 = arith.constant 0 : i32
    %dma_wait3A_37 = arith.constant 0 : i32
    %dma_wait3A_38 = tpu.memref_slice %arg8[%dma_wait3A, %dma_wait3A_36, %dma_wait3A_37] : memref<4x400x64xf32, #tpu.memory_space<vmem>> -> memref<1x400x64xf32, #tpu.memory_space<vmem>>
    %dma_wait3A_39 = tpu.memref_squeeze %dma_wait3A_38 : memref<1x400x64xf32, #tpu.memory_space<vmem>> -> memref<400x64xf32, #tpu.memory_space<vmem>>
    %dma_wait3A_40 = arith.constant 0 : i32
    %dma_wait3A_41 = tpu.memref_slice %arg5[%mul3A_2, %dma_wait3A_40] : memref<819200x64xf32, #tpu.memory_space<hbm>> -> memref<400x64xf32, #tpu.memory_space<hbm>>
    %dma_wait3A_42 = arith.constant 0 : i32
    %dma_wait3A_43 = tpu.memref_slice %arg5[%mul3A_2, %dma_wait3A_42] : memref<819200x64xf32, #tpu.memory_space<hbm>> -> memref<400x64xf32, #tpu.memory_space<hbm>>
    %dma_wait3A_44 = arith.constant 0 : i32
    %dma_wait3A_45 = arith.constant 0 : i32
    %dma_wait3A_46 = tpu.memref_slice %arg8[%dma_wait3A, %dma_wait3A_44, %dma_wait3A_45] : memref<4x400x64xf32, #tpu.memory_space<vmem>> -> memref<1x400x64xf32, #tpu.memory_space<vmem>>
    %dma_wait3A_47 = tpu.memref_squeeze %dma_wait3A_46 : memref<1x400x64xf32, #tpu.memory_space<vmem>> -> memref<400x64xf32, #tpu.memory_space<vmem>>
    tpu.wait_dma2 semaphore(%arg13 : memref<!tpu.dma_semaphore, #tpu.memory_space<semaphore_mem>>) src(%dma_wait3A_47 : memref<400x64xf32, #tpu.memory_space<vmem>>) dst(%dma_wait3A_43 : memref<400x64xf32, #tpu.memory_space<hbm>>)
    %dma_wait3A_48 = arith.constant 1 : i32
    %dma_wait3A_49 = arith.constant 0 : i32
    %dma_wait3A_50 = arith.constant 0 : i32
    %dma_wait3A_51 = tpu.memref_slice %arg8[%dma_wait3A_48, %dma_wait3A_49, %dma_wait3A_50] : memref<4x400x64xf32, #tpu.memory_space<vmem>> -> memref<1x400x64xf32, #tpu.memory_space<vmem>>
    %dma_wait3A_52 = tpu.memref_squeeze %dma_wait3A_51 : memref<1x400x64xf32, #tpu.memory_space<vmem>> -> memref<400x64xf32, #tpu.memory_space<vmem>>
    %dma_wait3A_53 = arith.constant 0 : i32
    %dma_wait3A_54 = tpu.memref_slice %arg5[%mul3A_2, %dma_wait3A_53] : memref<819200x64xf32, #tpu.memory_space<hbm>> -> memref<400x64xf32, #tpu.memory_space<hbm>>
    %dma_wait3A_55 = arith.constant 0 : i32
    %dma_wait3A_56 = tpu.memref_slice %arg5[%mul3A_2, %dma_wait3A_55] : memref<819200x64xf32, #tpu.memory_space<hbm>> -> memref<400x64xf32, #tpu.memory_space<hbm>>
    %dma_wait3A_57 = arith.constant 0 : i32
    %dma_wait3A_58 = arith.constant 0 : i32
    %dma_wait3A_59 = tpu.memref_slice %arg8[%dma_wait3A_48, %dma_wait3A_57, %dma_wait3A_58] : memref<4x400x64xf32, #tpu.memory_space<vmem>> -> memref<1x400x64xf32, #tpu.memory_space<vmem>>
    %dma_wait3A_60 = tpu.memref_squeeze %dma_wait3A_59 : memref<1x400x64xf32, #tpu.memory_space<vmem>> -> memref<400x64xf32, #tpu.memory_space<vmem>>
    tpu.wait_dma2 semaphore(%arg14 : memref<!tpu.dma_semaphore, #tpu.memory_space<semaphore_mem>>) src(%dma_wait3A_60 : memref<400x64xf32, #tpu.memory_space<vmem>>) dst(%dma_wait3A_56 : memref<400x64xf32, #tpu.memory_space<hbm>>)
    %dma_wait3A_61 = arith.constant 2 : i32
    %dma_wait3A_62 = arith.constant 0 : i32
    %dma_wait3A_63 = arith.constant 0 : i32
    %dma_wait3A_64 = tpu.memref_slice %arg8[%dma_wait3A_61, %dma_wait3A_62, %dma_wait3A_63] : memref<4x400x64xf32, #tpu.memory_space<vmem>> -> memref<1x400x64xf32, #tpu.memory_space<vmem>>
    %dma_wait3A_65 = tpu.memref_squeeze %dma_wait3A_64 : memref<1x400x64xf32, #tpu.memory_space<vmem>> -> memref<400x64xf32, #tpu.memory_space<vmem>>
    %dma_wait3A_66 = arith.constant 0 : i32
    %dma_wait3A_67 = tpu.memref_slice %arg5[%mul3A_2, %dma_wait3A_66] : memref<819200x64xf32, #tpu.memory_space<hbm>> -> memref<400x64xf32, #tpu.memory_space<hbm>>
    %dma_wait3A_68 = arith.constant 0 : i32
    %dma_wait3A_69 = tpu.memref_slice %arg5[%mul3A_2, %dma_wait3A_68] : memref<819200x64xf32, #tpu.memory_space<hbm>> -> memref<400x64xf32, #tpu.memory_space<hbm>>
    %dma_wait3A_70 = arith.constant 0 : i32
    %dma_wait3A_71 = arith.constant 0 : i32
    %dma_wait3A_72 = tpu.memref_slice %arg8[%dma_wait3A_61, %dma_wait3A_70, %dma_wait3A_71] : memref<4x400x64xf32, #tpu.memory_space<vmem>> -> memref<1x400x64xf32, #tpu.memory_space<vmem>>
    %dma_wait3A_73 = tpu.memref_squeeze %dma_wait3A_72 : memref<1x400x64xf32, #tpu.memory_space<vmem>> -> memref<400x64xf32, #tpu.memory_space<vmem>>
    tpu.wait_dma2 semaphore(%arg15 : memref<!tpu.dma_semaphore, #tpu.memory_space<semaphore_mem>>) src(%dma_wait3A_73 : memref<400x64xf32, #tpu.memory_space<vmem>>) dst(%dma_wait3A_69 : memref<400x64xf32, #tpu.memory_space<hbm>>)
    %dma_wait3A_74 = arith.constant 3 : i32
    %dma_wait3A_75 = arith.constant 0 : i32
    %dma_wait3A_76 = arith.constant 0 : i32
    %dma_wait3A_77 = tpu.memref_slice %arg8[%dma_wait3A_74, %dma_wait3A_75, %dma_wait3A_76] : memref<4x400x64xf32, #tpu.memory_space<vmem>> -> memref<1x400x64xf32, #tpu.memory_space<vmem>>
    %dma_wait3A_78 = tpu.memref_squeeze %dma_wait3A_77 : memref<1x400x64xf32, #tpu.memory_space<vmem>> -> memref<400x64xf32, #tpu.memory_space<vmem>>
    %dma_wait3A_79 = arith.constant 0 : i32
    %dma_wait3A_80 = tpu.memref_slice %arg5[%mul3A_2, %dma_wait3A_79] : memref<819200x64xf32, #tpu.memory_space<hbm>> -> memref<400x64xf32, #tpu.memory_space<hbm>>
    %dma_wait3A_81 = arith.constant 0 : i32
    %dma_wait3A_82 = tpu.memref_slice %arg5[%mul3A_2, %dma_wait3A_81] : memref<819200x64xf32, #tpu.memory_space<hbm>> -> memref<400x64xf32, #tpu.memory_space<hbm>>
    %dma_wait3A_83 = arith.constant 0 : i32
    %dma_wait3A_84 = arith.constant 0 : i32
    %dma_wait3A_85 = tpu.memref_slice %arg8[%dma_wait3A_74, %dma_wait3A_83, %dma_wait3A_84] : memref<4x400x64xf32, #tpu.memory_space<vmem>> -> memref<1x400x64xf32, #tpu.memory_space<vmem>>
    %dma_wait3A_86 = tpu.memref_squeeze %dma_wait3A_85 : memref<1x400x64xf32, #tpu.memory_space<vmem>> -> memref<400x64xf32, #tpu.memory_space<vmem>>
    tpu.wait_dma2 semaphore(%arg16 : memref<!tpu.dma_semaphore, #tpu.memory_space<semaphore_mem>>) src(%dma_wait3A_86 : memref<400x64xf32, #tpu.memory_space<vmem>>) dst(%dma_wait3A_82 : memref<400x64xf32, #tpu.memory_space<hbm>>)
    return
  }
}

</mosaic_0001>

<sc_bundles>
// kernel: kernel.3.cloned.1.call-start
scs
__scs_entry_jumppad:
0x0: {  	(pc) =	sbr.rel $0x88, $3  }
0x1: {  	(tag) =	ssettag $0x0;
	lr =	simm.s32 $0x1  }
0x2: {  	[smem:$0x3F9E] =	sst lr;
	_ =	strace $0xD0000000  }
0x3: {  	_ = 	snop  }
0x4: {  	_ = 	snop  }
0x5: {  	_ = 	snop  }
0x6: {  	_ = 	snop  }
0x7: {  	_ = 	snop  }
__scs_overlays_trampoline_lowered:
0x8: {  	[smem:$0x3FAD] =	sst s0  }
0x9: {  	[smem:$0x3FAE] =	sst s1  }
0xa: {  	[smem:$0x3FAF] =	sst s2  }
0xb: {  	[smem:$0x3FB0] =	sst s3  }
0xc: {  	[smem:$0x3FB1] =	sst s4  }
0xd: {  	[smem:$0x3FB2] =	sst s5  }
0xe: {  	[smem:$0x3FB3] =	sst s6  }
0xf: {  	[smem:$0x3FB4] =	sst s7  }
0x10: {  	[smem:$0x3FB5] =	sst s8  }
0x11: {  	[smem:$0x3FB6] =	sst s9;
	s0 =	simm.s32 @!p0 $0x0  }
0x12: {  	s1 =	sld [smem:$0x3F9C];
	s0 =	simm.s32 @p0 $0x1  }
0x13: {  	[smem:$0x3FB7] =	sst s0;
	s0 =	simm.s32 @!p1 $0x0  }
0x14: {  	s2 =	sld [smem:$0x3F9B];
	s0 =	simm.s32 @p1 $0x1  }
0x15: {  	[smem:$0x3FB8] =	sst s0;
	s0 =	simm.s32 @!p2 $0x0  }
0x16: {  	s3 =	sld [smem:$0x3FDB];
	s0 =	simm.s32 @p2 $0x1  }
0x17: {  	s4 =	simm.s32 $0x1BF5;
	[smem:$0x3FBA] =	sst s0  }
0x18: {  	s0 =	sld [smem:$0x3F9D];
	_ =	swait.ge [sflag:s4], $0x0  }
0x19: {  	s7 =	sld [smem:$0x3F9E]  }
0x1a: {  	s8 =	sadd.s32 $0xFFFFE003, lr  }
0x1b: {  	s9 =	sadd.s32 $0xFFFFFEF7, lr;
	s5 =	simm.s32 $0xFFFFFFFF;
	p2 =	slt.u32 s8, $0xFFFFF086  }
0x1c: {  	p1 =	slt.u32 s9, $0xF7A;
	s5 =	simm.s32 @!p2 $0x0  }
0x1d: {  	s5 =	simm.s32 @p1 $0x1;
	p0 =	seq.s32 s7, s2  }
0x1e: {  	s7 =	smul.u32 @!p0 $0xF7A, s2;
	p2 =	seq.s32 @!p0 s5, $0x0  }
0x1f: {  	s9 =	smul.u32 $0xF7A, s1;
	s8 =	simm.s32 @!p0 $0x1BF5;
	p2 =	por !p2, p0  }
0x20: {  	[sflag:s8] =	ssyncset.s32 @!p0 $0xFFFFF086;
	s6 =	sadd.s32 @!p0 s3, s7;
	s7 =	simm.s32 @!p0 $0x108  }
0x21: {  	s3 =	sadd.s32 s3, s9;
	s6 =	sadd.s32 @!p0 $0x88, s6;
	s7 =	simm.s32 @p2 $0x1082  }
0x22: {  	[simem:s7], [sflag:s8] =	dma.local @!p0 [hbm:s6], $0xF7A  }
0x23: {  	s9 =	sor.u32 $0xD0000000, s2;
	s6 =	simm.s32 $0x108;
	_ =	swait.ge @!p0 [sflag:s8], $0x0  }
0x24: {  	s3 =	sadd.s32 $0x88, s3;
	s6 =	simm.s32 @!p1 $0x1082;
	[sflag:s4] =	ssyncset.s32 $0xFFFFF086  }
0x25: {  	[simem:s6], [sflag:s4] =	dma.local [hbm:s3], $0xF7A  }
0x26: {  	[smem:$0x3F9E] =	sst s1;
	(tag) =	ssettag s2;
	_ =	strace s9  }
0x27: {  	s1 =	sld [smem:$0x3FAE]  }
0x28: {  	s2 =	sld [smem:$0x3FAF]  }
0x29: {  	s4 =	sld [smem:$0x3FB1]  }
0x2a: {  	p0 =	seq.s32 s5, $0x0;
	s5 =	sld [smem:$0x3FB2]  }
0x2b: {  	s6 =	sld [smem:$0x3FB3]  }
0x2c: {  	s7 =	sld [smem:$0x3FB4]  }
0x2d: {  	s3 =	simm.s32 $0x108;
	s8 =	sld [smem:$0x3FB5]  }
0x2e: {  	s3 =	simm.s32 @!p0 $0x1082;
	s9 =	sld [smem:$0x3FB6]  }
0x2f: {  	lr =	sadd.s32 s0, s3;
	s0 =	sld [smem:$0x3FAD]  }
0x30: {  	s3 =	sld [smem:$0x3FB0]  }
0x31: {  	[smem:$0x3FB9] =	sst s10  }
0x32: {  	s10 =	sld [smem:$0x3FB7];
	_ =	sdelay $0x3  }
0x33: {  	p0 =	seq.s32 s10, $0x1;
	s10 =	sld [smem:$0x3FB9];
	_ =	sdelay $0x3  }
0x34: {  	[smem:$0x3FB9] =	sst s10  }
0x35: {  	s10 =	sld [smem:$0x3FB8];
	_ =	sdelay $0x3  }
0x36: {  	p1 =	seq.s32 s10, $0x1;
	s10 =	sld [smem:$0x3FB9];
	_ =	sdelay $0x3  }
0x37: {  	[smem:$0x3FB9] =	sst s10  }
0x38: {  	s10 =	sld [smem:$0x3FBA]  }
0x39: {  	_ = 	snop;
	(pc) =	sbr.ind lr, $3  }
0x3a: {  	_ = 	snop  }
0x3b: {  	_ = 	snop  }
0x3c: {  	p2 =	seq.s32 s10, $0x1;
	s10 =	sld [smem:$0x3FB9]  }
0x3d: {  	_ =	shalt  }
0x3e: {  	_ =	shalt  }
0x3f: {  	_ =	shalt  }
0x40: {  	_ =	shalt  }
0x41: {  	_ =	shalt  }
0x42: {  	_ =	shalt  }
0x43: {  	_ =	shalt  }
0x44: {  	_ =	shalt  }
0x45: {  	_ =	shalt  }
0x46: {  	_ =	shalt  }
0x47: {  	_ =	shalt  }
0x48: {  	_ =	shalt  }
0x49: {  	_ =	shalt  }
0x4a: {  	_ =	shalt  }
0x4b: {  	_ =	shalt  }
0x4c: {  	_ =	shalt  }
0x4d: {  	_ =	shalt  }
0x4e: {  	_ =	shalt  }
0x4f: {  	_ =	shalt  }
0x50: {  	_ =	shalt  }
0x51: {  	_ =	shalt  }
0x52: {  	_ =	shalt  }
0x53: {  	_ =	shalt  }
0x54: {  	_ =	shalt  }
0x55: {  	_ =	shalt  }
0x56: {  	_ =	shalt  }
0x57: {  	_ =	shalt  }
0x58: {  	_ =	shalt  }
0x59: {  	_ =	shalt  }
0x5a: {  	_ =	shalt  }
0x5b: {  	_ =	shalt  }
0x5c: {  	_ =	shalt  }
0x5d: {  	_ =	shalt  }
0x5e: {  	_ =	shalt  }
0x5f: {  	_ =	shalt  }
0x60: {  	_ =	shalt  }
0x61: {  	_ =	shalt  }
0x62: {  	_ =	shalt  }
0x63: {  	_ =	shalt  }
0x64: {  	_ =	shalt  }
0x65: {  	_ =	shalt  }
0x66: {  	_ =	shalt  }
0x67: {  	_ =	shalt  }
0x68: {  	_ =	shalt  }
0x69: {  	_ =	shalt  }
0x6a: {  	_ =	shalt  }
0x6b: {  	_ =	shalt  }
0x6c: {  	_ =	shalt  }
0x6d: {  	_ =	shalt  }
0x6e: {  	_ =	shalt  }
0x6f: {  	_ =	shalt  }
0x70: {  	_ =	shalt  }
0x71: {  	_ =	shalt  }
0x72: {  	_ =	shalt  }
0x73: {  	_ =	shalt  }
0x74: {  	_ =	shalt  }
0x75: {  	_ =	shalt  }
0x76: {  	_ =	shalt  }
0x77: {  	_ =	shalt  }
0x78: {  	_ =	shalt  }
0x79: {  	_ =	shalt  }
0x7a: {  	_ =	shalt  }
0x7b: {  	_ =	shalt  }
0x7c: {  	_ =	shalt  }
0x7d: {  	_ =	shalt  }
0x7e: {  	_ =	shalt  }
0x7f: {  	_ =	shalt  }
0x80: {  	_ =	shalt  }
0x81: {  	_ =	shalt  }
0x82: {  	_ =	shalt  }
0x83: {  	_ =	shalt  }
0x84: {  	_ =	shalt  }
0x85: {  	_ =	shalt  }
0x86: {  	_ =	shalt  }
0x87: {  	_ =	shalt  }
.Lfunc_end0:
.L_simem_size_0:
called_computation.1_lowered:
.L_overlay_start_0:
0x88: {  	s2 =	sld [smem:$0x3FD9]  }
0x89: {  	s3 =	sld [smem:$0x3FFE];
	_ =	sdelay $0x1  }
0x8a: {  	s1 =	srdreg.scid  }
0x8b: {  	s0 =	sand.u32 $0x1, s1  }
0x8c: {  	s17 =	sshll.u32 s0, $0xA;
	s2 =	sadd.s32 s3, s2  }
0x8d: {  	s2 =	sadd.s32 s2, s17  }
0x8e: {  	[smem:$0x3FC5] =	sst s2  }
0x8f: {  	_ = 	snop  }
0x90: {  	s2 =	sld [smem:$0x3FD0];
	(tm) =	ssettm $0x1  }
0x91: {  	s18 =	sld [smem:$0x3FFB];
	_ =	sdelay $0x3  }
0x92: {  	_ =	strace s18  }
0x93: {  	s3 =	sld [smem:$0x3FFC];
	_ =	sdelay $0x3  }
0x94: {  	_ =	strace s3  }
0x95: {  	s3 =	sld [smem:$0x3FFD];
	_ =	sdelay $0x3  }
0x96: {  	_ =	strace s3  }
0x97: {  	_ =	strace $0x8FFFFFFF  }
0x98: {  	s19 =	sld [smem:$0x3FDB];
	_ =	sdelay $0x1  }
0x99: {  	s4 =	simm.s32 $_scs_section_size  }
0x9a: {  	s5 =	simm.s32 $_size__tile_overlayer_lowered;
	s6 =	simm.s32 $_tile_overlayer_lowered  }
0x9b: {  	s22 =	simm.s32 $0x1BFF;
	s21 =	sshll.u32 s6, $0x1;
	s3 =	sadd.s32 s4, s19  }
0x9c: {  	s7 =	simm.s32 $0x0;
	s20 =	sshll.u32 s5, $0x1;
	s5 =	sadd.s32 s21, s3  }
0x9d: {  	[timem:s7], [sflag:s22] =	dma.local [hbm:s5], s20  }
0x9e: {  	_ =	swait.ge [sflag:s22], s20  }
0x9f: {  	s4 =	ssub.s32 $0x0, s20;
	[sflag:s22] =	ssyncset.done $0x0  }
0xa0: {  	[sflag:s22] =	ssyncadd.s32 s4;
	_ =	sdelay $0x1  }
0xa1: {  	s23 =	simm.s32 $0x1B8B  }
0xa2: {  	_ =	swait.ge [sflag:s23], $0x1  }
0xa3: {  	[sflag:s23] =	ssyncset.done $0x0  }
0xa4: {  	s25 =	simm.s32 $0x1B8E;
	s24 =	sld [smem:$0x3FFE];
	[sflag:s23] =	ssyncadd.s32 $0xFFFFFFFF  }
0xa5: {  	s26 =	simm.s32 $execute0_lowered;
	[smem:$0x3FD2] =	sst s25  }
0xa6: {  	s5 =	sshll.u32 s26, $0x1;
	_ =	strace $0x80000046;
	[dreg:$0x1] =	wrdreg $0xFFFFFFFF  }
0xa7: {  	s28 =	simm.s32 $_size_execute0_lowered;
	s3 =	sadd.s32 s3, s5;
	[dreg:$0x0] =	wrdreg $0x0  }
0xa8: {  	s5 =	sshll.u32 s28, $0x1;
	[dreg:$0x2] =	wrdreg s3  }
0xa9: {  	[dreg:$0x3] =	wrdreg s5  }
0xaa: {  	[dreg:$0x4] =	wrdreg $0xC0  }
0xab: {  	_ =	task [dreg:s7], $0x5FFFF  }
0xac: {  	[dreg:$0x1] =	wrdreg $0xFFFFFFFF  }
0xad: {  	[dreg:$0x0] =	wrdreg $0x60  }
0xae: {  	[dreg:$0x2] =	wrdreg s24  }
0xaf: {  	[dreg:$0x3] =	wrdreg s2  }
0xb0: {  	[dreg:$0x4] =	wrdreg $0x9  }
0xb1: {  	_ =	task.clear_ibuf [dreg:s7], $0x5FFFF;
	_ =	strace $0x90000046  }
0xb2: {  	s29 =	simm.s32 $0x9;
	_ =	strace $0x80000048  }
0xb3: {  	_ =	swait.ge [sflag:s29], $0x1  }
0xb4: {  	[sflag:s29] =	ssyncadd.s32 $0xFFFFFFFF  }
0xb5: {  	_ =	strace $0x90000048  }
0xb6: {  	_ =	sfence  }
0xb7: {  	s30 =	sld [smem:$0x0];
	_ =	sdelay $0x2  }
0xb8: {  	s31 =	sshll.u32 s1, $0xD;
	s1 =	sshrl.u32 s1, $0x2  }
0xb9: {  	s3 =	sand.u32 $0x4000, s31;
	s1 =	sadd.s32 s1, s30  }
0xba: {  	s0 =	sor.u32 s3, s0;
	s1 =	sshll.u32 s1, $0x11  }
0xbb: {  	s0 =	sor.u32 s1, s0  }
0xbc: {  	s0 =	sadd.s32 $0x8F2B, s0  }
0xbd: {  	[sflag:s0] =	ssyncadd.remote.s32 $0x1  }
0xbe: {  	_ =	sfence.sel $0xFFFF  }
0xbf: {  	[dreg:$0x0] =	wrdreg $0xFFFFFFFF;
	(pc) =	sbr.abs _section_cstart, $3  }
0xc0: {  	[dreg:$0x1] =	wrdreg $0xFFFFFFFF  }
0xc1: {  	_ =	task.clear_ibuf [dreg:s7], $0x2FFFF;
	_ =	strace $0x9FFFFFFF  }
0xc2: {  	(tm) =	ssettm $0x7FFFFFFF  }
0xc3: {  	_ =	shalt  }
tec
execute0_lowered:
.L_overlay_start_1:
0x0: {  	(tag) =	ssettag $0x1  }
0x1: {  	s0 =	rddreg [dreg:$0x0];
	s1 =	srdreg.scid  }
0x2: {  	s3 =	stileid.u32;
	s2 =	rddreg [dreg:$0x1]  }
0x3: {  	s16 =	simm.s32 $0x9;
	s18 =	simm.s32 $0x190;
	s19 =	simm.s32 $0x3840  }
0x4: {  	s20 =	simm.s32 $0x3390;
	s21 =	simm.s32 $0x9C40;
	s22 =	simm.s32 $0x1  }
0x5: {  	s23 =	simm.s32 $0x3520;
	s24 =	simm.s32 $0x10040;
	s25 =	simm.s32 $0x2  }
0x6: {  	s28 =	simm.s32 $0x16440;
	s29 =	simm.s32 $0x3;
	s30 =	simm.s32 $0x4  }
0x7: {  	s8 =	simm.s32 $0x0;
	s1 =	sand.u32 $0x1, s1;
	s4 =	sshll.u32 s3, $0x1  }
0x8: {  	s3 =	simm.s32 $0x0;
	s5 =	sadd.s32 $0xC00, s0;
	s6 =	sadd.s32 $0xF43000, s0  }
0x9: {  	s0 =	sadd.s32 $0x19C00, s0;
	s4 =	sor.u32 s1, s4;
	s1 =	ssub.s32 $0x2, s1  }
0xa: {  	[smem:$0x7FF] =	sst s3;
	s4 =	smul.u32 $0x6400, s4;
	s26 =	sshrl.u32 s1, $0x1  }
0xb: {  	_ =	strace $0x80000047;
	[dreg:$0x3] =	wrdreg s0;
	s0 =	ssub.s32 s1, s26  }
.Ltmp0:
0xc: {  	s26 =	simm.s32 $0x36B0;
	s1 =	simm.s32 $0x6;
	(pc) =	sbr.rel .LBB2_1-.Ltmp0, $4  }
0xd: {  	s7 =	sshrl.u32 s4, $0x3;
	s10 =	sor.u32 $0x320, s4;
	s0 =	smax.u32 s0, $0x1  }
0xe: {  	s11 =	sor.u32 $0x190, s4;
	s7 =	sadd.s32 s5, s7;
	[dreg:$0x6] =	wrdreg s0  }
0xf: {  	s12 =	sadd.s32 $0x4B0, s4;
	[dreg:$0x4] =	wrdreg s7;
	s31 =	sadd.s32 $0x32, s7  }
0x10: {  	s13 =	sadd.s32 $0x640, s4;
	s14 =	sadd.s32 $0x7D0, s4;
	[dreg:$0x5] =	wrdreg s31  }
.LBB2_12:
0x11: {  	s0 =	simm.s32 $0x5  }
0x12: {  	_ =	swait.ge [sflag:s0], $0x6400  }
0x13: {  	[sflag:s0] =	ssyncset.done $0x0  }
0x14: {  	[sflag:s0] =	ssyncadd.s32 $0xFFFF9C00  }
0x15: {  	_ =	swait.ge [sflag:s1], $0x6400  }
0x16: {  	[sflag:s1] =	ssyncset.done $0x0  }
0x17: {  	s17 =	simm.s32 $0x7;
	[sflag:s1] =	ssyncadd.s32 $0xFFFF9C00  }
0x18: {  	_ =	swait.ge [sflag:s17], $0x6400  }
0x19: {  	[sflag:s17] =	ssyncset.done $0x0  }
0x1a: {  	s7 =	simm.s32 $0x8;
	[sflag:s17] =	ssyncadd.s32 $0xFFFF9C00  }
0x1b: {  	_ =	swait.ge [sflag:s7], $0x6400  }
0x1c: {  	s8 =	rddreg [dreg:$0x7]  }
0x1d: {  	s31 =	rddreg [dreg:$0x6];
	s8 =	sadd.s32 $0x1, s8  }
0x1e: {  	p0 =	sne.s32 s8, s31  }
.Ltmp1:
0x1f: {  	_ = 	snop;
	(pc) =	sbr.rel @!p0 .LBB2_13-.Ltmp1, $3  }
0x20: {  	_ =	sdelay $0x1  }
0x21: {  	[sflag:s7] =	ssyncset.done $0x0  }
0x22: {  	[sflag:s7] =	ssyncadd.s32 $0xFFFF9C00  }
.LBB2_1:
0x23: {  	[dreg:$0x7] =	wrdreg s8  }
0x24: {  	s0 =	rddreg [dreg:$0x3]  }
0x25: {  	[tilespmem:s3], [sflag:$0x9] =	stream.linear.gather [hbm4b:s0+s3], $0x3200, $0x38;
	[tilespmem:$0x1C840] =	vst v63  }
0x26: {  	_ =	swait.ge [sflag:s16], $0x3200  }
0x27: {  	[sflag:s16] =	ssyncset.done $0x0  }
0x28: {  	s7 =	simm.s32 $0x3200;
	s17 =	rddreg [dreg:$0x4];
	[sflag:s16] =	ssyncadd.s32 $0xFFFFCE00  }
0x29: {  	[tilespmem:s7], [sflag:$0x9] =	stream.linear.gather [hbm4b:s17+s3], $0x190, $0x38;
	[tilespmem:$0x1C840] =	vst v63  }
0x2a: {  	_ =	swait.ge [sflag:s16], $0x190  }
0x2b: {  	[sflag:s16] =	ssyncset.done $0x0  }
0x2c: {  	[sflag:s16] =	ssyncadd.s32 $0xFFFFFE70  }
0x2d: {  	[tilespmem:s19], [sflag:$0x1] =	stream.indirect.gather [hbm4b:s6+s18], $0x40, s7, s18, $0xb8;
	[tilespmem:$0x1C840] =	vst v63  }
0x2e: {  	s31 =	rddreg [dreg:$0x5]  }
0x2f: {  	[tilespmem:s20], [sflag:$0x9] =	stream.linear.gather [hbm4b:s31+s3], $0x190, $0x38;
	[tilespmem:$0x1C840] =	vst v63  }
0x30: {  	_ =	swait.ge [sflag:s16], $0x190  }
0x31: {  	[sflag:s16] =	ssyncset.done $0x0  }
0x32: {  	s17 =	simm.s32 $0x0;
	[sflag:s16] =	ssyncadd.s32 $0xFFFFFE70  }
0x33: {  	[tilespmem:s21], [sflag:$0x2] =	stream.indirect.gather [hbm4b:s6+s18], $0x40, s20, s18, $0xb8;
	[tilespmem:$0x1C840] =	vst v63  }
.LBB2_2:
0x34: {  	_ =	swait.ge [sflag:s22], $0x6400  }
0x35: {  	[sflag:s22] =	ssyncset.done $0x0  }
0x36: {  	s8 =	simm.s32 $0x0;
	[sflag:s22] =	ssyncadd.s32 $0xFFFF9C00  }
0x37: {  	v0 =	vld [tilespmem:s8+$0x30]  }
0x38: {  	v1 =	vld [tilespmem:s8+$0x0];
	_ =	sdelay $0x1  }
0x39: {  	v2 =	vld [tilespmem:s8+$0x10]  }
0x3a: {  	v3 =	vld [tilespmem:s8+$0x20]  }
0x3b: {  	[tilespmem:s8+$0x6A70] =	vst.add.f32.msk $0xffff, v0  }
0x3c: {  	[tilespmem:s8+$0x3840] =	vst.add.f32.msk $0xffff, v1  }
0x3d: {  	[tilespmem:s8+$0x6A40] =	vst.add.f32.msk $0xffff, v1  }
0x3e: {  	[tilespmem:s8+$0x3850] =	vst.add.f32.msk $0xffff, v2  }
0x3f: {  	[tilespmem:s8+$0x6A50] =	vst.add.f32.msk $0xffff, v2  }
0x40: {  	[tilespmem:s8+$0x3860] =	vst.add.f32.msk $0xffff, v3  }
0x41: {  	s0 =	simm.s32 $0x40;
	s7 =	simm.s32 $0x200;
	[tilespmem:s8+$0x6A60] =	vst.add.f32.msk $0xffff, v3  }
.LBB2_3:
0x42: {  	p0 =	sne.s32 s7, $0xC700;
	v1 =	vld [tilespmem:s0+$0x30]  }
0x43: {  	v2 =	vld [tilespmem:s0+$0x0]  }
0x44: {  	v3 =	vld [tilespmem:s0+$0x10]  }
0x45: {  	v4 =	vld [tilespmem:s0+$0x20]  }
0x46: {  	[tilespmem:s8+$0x3870] =	vst.add.f32.msk $0xffff, v0;
	s8 =	smov.u32 s0  }
0x47: {  	[tilespmem:s8+$0x6A70] =	vst.add.f32.msk $0xffff, v1;
	v0 =	vmov v1  }
0x48: {  	[tilespmem:s8+$0x3840] =	vst.add.f32.msk $0xffff, v2  }
.Ltmp2:
0x49: {  	[tilespmem:s8+$0x6A40] =	vst.add.f32.msk $0xffff, v2;
	(pc) =	sbr.rel @p0 .LBB2_3-.Ltmp2, $4  }
0x4a: {  	[tilespmem:s8+$0x3850] =	vst.add.f32.msk $0xffff, v3  }
0x4b: {  	[tilespmem:s8+$0x6A50] =	vst.add.f32.msk $0xffff, v3  }
0x4c: {  	[tilespmem:s8+$0x3860] =	vst.add.f32.msk $0xffff, v4  }
0x4d: {  	s0 =	sshra.s32 s7, $0x2;
	s7 =	sadd.s32 $0x100, s7;
	[tilespmem:s8+$0x6A60] =	vst.add.f32.msk $0xffff, v4  }
0x4e: {  	v1 =	vld [tilespmem:s0+$0x30]  }
0x4f: {  	v2 =	vld [tilespmem:s0+$0x0]  }
0x50: {  	v3 =	vld [tilespmem:s0+$0x10]  }
0x51: {  	v4 =	vld [tilespmem:s0+$0x20]  }
0x52: {  	[tilespmem:s8+$0x3870] =	vst.add.f32.msk $0xffff, v0  }
0x53: {  	[tilespmem:s0+$0x6A70] =	vst.add.f32.msk $0xffff, v1  }
0x54: {  	[tilespmem:s0+$0x3840] =	vst.add.f32.msk $0xffff, v2  }
0x55: {  	[tilespmem:s0+$0x6A40] =	vst.add.f32.msk $0xffff, v2  }
0x56: {  	s15 =	smul.u32 $0x640, s17;
	[tilespmem:s0+$0x3850] =	vst.add.f32.msk $0xffff, v3  }
0x57: {  	[tilespmem:s0+$0x6A50] =	vst.add.f32.msk $0xffff, v3  }
0x58: {  	s7 =	sadd.s32 s4, s15;
	[tilespmem:s0+$0x3860] =	vst.add.f32.msk $0xffff, v4  }
0x59: {  	p0 =	seq.s32 s17, $0x0;
	s7 =	sshll.u32 s7, $0x3;
	[tilespmem:s0+$0x6A60] =	vst.add.f32.msk $0xffff, v4  }
0x5a: {  	s8 =	sadd.s32 s2, s7;
	[tilespmem:s0+$0x3870] =	vst.add.f32.msk $0xffff, v1;
	s0 =	simm.s32 @!p0 $0x7  }
0x5b: {  	[hbm4b:s8+s3] =	stream.linear.scatter [tilespmem:s19], [sflag:$0x5], $0x6400, $0x38;
	[tilespmem:$0x1C840] =	vst v63  }
0x5c: {  	s31 =	sadd.s32 s15, s10;
	_ =	swait.ge @!p0 [sflag:s0], $0x6400  }
0x5d: {  	s9 =	sshrl.u32 s31, $0x3;
	[sflag:s0] =	ssyncset.done @!p0 $0x0  }
0x5e: {  	s8 =	sadd.s32 s5, s9;
	s9 =	simm.s32 $0x0;
	[sflag:s0] =	ssyncadd.s32 @!p0 $0xFFFF9C00  }
0x5f: {  	[tilespmem:s23], [sflag:$0x9] =	stream.linear.gather [hbm4b:s8+s9], $0x190, $0x38;
	[tilespmem:$0x1C840] =	vst v63  }
0x60: {  	_ =	swait.ge [sflag:s16], $0x190  }
0x61: {  	[sflag:s16] =	ssyncset.done $0x0  }
0x62: {  	[sflag:s16] =	ssyncadd.s32 $0xFFFFFE70  }
0x63: {  	[tilespmem:s24], [sflag:$0x3] =	stream.indirect.gather [hbm4b:s6+s18], $0x40, s23, s18, $0xb8;
	[tilespmem:$0x1C840] =	vst v63  }
0x64: {  	_ =	swait.ge [sflag:s25], $0x6400  }
0x65: {  	[sflag:s25] =	ssyncset.done $0x0  }
0x66: {  	s8 =	simm.s32 $0x0;
	[sflag:s25] =	ssyncadd.s32 $0xFFFF9C00  }
0x67: {  	v0 =	vld [tilespmem:s8+$0x30]  }
0x68: {  	v1 =	vld [tilespmem:s8+$0x0];
	_ =	sdelay $0x1  }
0x69: {  	v2 =	vld [tilespmem:s8+$0x10]  }
0x6a: {  	v3 =	vld [tilespmem:s8+$0x20]  }
0x6b: {  	[tilespmem:s8+$0xCE70] =	vst.add.f32.msk $0xffff, v0  }
0x6c: {  	[tilespmem:s8+$0x9C40] =	vst.add.f32.msk $0xffff, v1  }
0x6d: {  	[tilespmem:s8+$0xCE40] =	vst.add.f32.msk $0xffff, v1  }
0x6e: {  	[tilespmem:s8+$0x9C50] =	vst.add.f32.msk $0xffff, v2  }
0x6f: {  	[tilespmem:s8+$0xCE50] =	vst.add.f32.msk $0xffff, v2  }
0x70: {  	[tilespmem:s8+$0x9C60] =	vst.add.f32.msk $0xffff, v3  }
0x71: {  	s7 =	simm.s32 $0x200;
	s0 =	simm.s32 $0x40;
	[tilespmem:s8+$0xCE60] =	vst.add.f32.msk $0xffff, v3  }
.LBB2_5:
0x72: {  	p1 =	sne.s32 s7, $0xC700;
	v1 =	vld [tilespmem:s0+$0x30]  }
0x73: {  	v2 =	vld [tilespmem:s0+$0x0]  }
0x74: {  	v3 =	vld [tilespmem:s0+$0x10]  }
0x75: {  	v4 =	vld [tilespmem:s0+$0x20]  }
0x76: {  	[tilespmem:s8+$0x9C70] =	vst.add.f32.msk $0xffff, v0;
	s8 =	smov.u32 s0  }
0x77: {  	[tilespmem:s8+$0xCE70] =	vst.add.f32.msk $0xffff, v1;
	v0 =	vmov v1  }
0x78: {  	[tilespmem:s8+$0x9C40] =	vst.add.f32.msk $0xffff, v2  }
.Ltmp3:
0x79: {  	[tilespmem:s8+$0xCE40] =	vst.add.f32.msk $0xffff, v2;
	(pc) =	sbr.rel @p1 .LBB2_5-.Ltmp3, $4  }
0x7a: {  	[tilespmem:s8+$0x9C50] =	vst.add.f32.msk $0xffff, v3  }
0x7b: {  	[tilespmem:s8+$0xCE50] =	vst.add.f32.msk $0xffff, v3  }
0x7c: {  	[tilespmem:s8+$0x9C60] =	vst.add.f32.msk $0xffff, v4  }
0x7d: {  	s0 =	sshra.s32 s7, $0x2;
	s7 =	sadd.s32 $0x100, s7;
	[tilespmem:s8+$0xCE60] =	vst.add.f32.msk $0xffff, v4  }
0x7e: {  	v1 =	vld [tilespmem:s0+$0x30]  }
0x7f: {  	v2 =	vld [tilespmem:s0+$0x0]  }
0x80: {  	v3 =	vld [tilespmem:s0+$0x10]  }
0x81: {  	v4 =	vld [tilespmem:s0+$0x20]  }
0x82: {  	[tilespmem:s8+$0x9C70] =	vst.add.f32.msk $0xffff, v0  }
0x83: {  	[tilespmem:s0+$0xCE70] =	vst.add.f32.msk $0xffff, v1  }
0x84: {  	[tilespmem:s0+$0x9C40] =	vst.add.f32.msk $0xffff, v2  }
0x85: {  	[tilespmem:s0+$0xCE40] =	vst.add.f32.msk $0xffff, v2  }
0x86: {  	[tilespmem:s0+$0x9C50] =	vst.add.f32.msk $0xffff, v3  }
0x87: {  	s7 =	sadd.s32 s15, s11;
	[tilespmem:s0+$0xCE50] =	vst.add.f32.msk $0xffff, v3  }
0x88: {  	s7 =	sshll.u32 s7, $0x3;
	[tilespmem:s0+$0x9C60] =	vst.add.f32.msk $0xffff, v4  }
0x89: {  	s7 =	sand.u32 $0x1FFFFE80, s7;
	[tilespmem:s0+$0xCE60] =	vst.add.f32.msk $0xffff, v4  }
0x8a: {  	s8 =	sadd.s32 s2, s7;
	[tilespmem:s0+$0x9C70] =	vst.add.f32.msk $0xffff, v1;
	s0 =	simm.s32 @!p0 $0x8  }
0x8b: {  	[hbm4b:s8+s3] =	stream.linear.scatter [tilespmem:s21], [sflag:$0x6], $0x6400, $0x38;
	[tilespmem:$0x1C840] =	vst v63  }
0x8c: {  	s8 =	sadd.s32 s15, s12;
	_ =	swait.ge @!p0 [sflag:s0], $0x6400  }
0x8d: {  	s9 =	sshrl.u32 s8, $0x3;
	[sflag:s0] =	ssyncset.done @!p0 $0x0  }
0x8e: {  	s7 =	sadd.s32 s5, s9;
	s9 =	simm.s32 $0x0;
	[sflag:s0] =	ssyncadd.s32 @!p0 $0xFFFF9C00  }
0x8f: {  	[tilespmem:s26], [sflag:$0x9] =	stream.linear.gather [hbm4b:s7+s9], $0x190, $0x38;
	[tilespmem:$0x1C840] =	vst v63  }
0x90: {  	_ =	swait.ge [sflag:s16], $0x190  }
0x91: {  	[sflag:s16] =	ssyncset.done $0x0  }
0x92: {  	[sflag:s16] =	ssyncadd.s32 $0xFFFFFE70  }
0x93: {  	[tilespmem:s28], [sflag:$0x4] =	stream.indirect.gather [hbm4b:s6+s18], $0x40, s26, s18, $0xb8;
	[tilespmem:$0x1C840] =	vst v63  }
0x94: {  	_ =	swait.ge [sflag:s29], $0x6400  }
0x95: {  	[sflag:s29] =	ssyncset.done $0x0  }
0x96: {  	s0 =	simm.s32 $0x0;
	[sflag:s29] =	ssyncadd.s32 $0xFFFF9C00  }
0x97: {  	v0 =	vld [tilespmem:s0+$0x30]  }
0x98: {  	v1 =	vld [tilespmem:s0+$0x0];
	_ =	sdelay $0x1  }
0x99: {  	v2 =	vld [tilespmem:s0+$0x10]  }
0x9a: {  	v3 =	vld [tilespmem:s0+$0x20]  }
0x9b: {  	[tilespmem:s0+$0x13270] =	vst.add.f32.msk $0xffff, v0  }
0x9c: {  	[tilespmem:s0+$0x10040] =	vst.add.f32.msk $0xffff, v1  }
0x9d: {  	[tilespmem:s0+$0x13240] =	vst.add.f32.msk $0xffff, v1  }
0x9e: {  	[tilespmem:s0+$0x10050] =	vst.add.f32.msk $0xffff, v2  }
0x9f: {  	[tilespmem:s0+$0x13250] =	vst.add.f32.msk $0xffff, v2  }
0xa0: {  	[tilespmem:s0+$0x10060] =	vst.add.f32.msk $0xffff, v3  }
0xa1: {  	s7 =	simm.s32 $0x40;
	s9 =	simm.s32 $0x200;
	[tilespmem:s0+$0x13260] =	vst.add.f32.msk $0xffff, v3  }
.LBB2_7:
0xa2: {  	p0 =	sne.s32 s9, $0xC700;
	v1 =	vld [tilespmem:s7+$0x30]  }
0xa3: {  	v2 =	vld [tilespmem:s7+$0x0]  }
0xa4: {  	v3 =	vld [tilespmem:s7+$0x10]  }
0xa5: {  	v4 =	vld [tilespmem:s7+$0x20]  }
0xa6: {  	[tilespmem:s0+$0x10070] =	vst.add.f32.msk $0xffff, v0;
	s0 =	smov.u32 s7  }
0xa7: {  	[tilespmem:s0+$0x13270] =	vst.add.f32.msk $0xffff, v1;
	v0 =	vmov v1  }
0xa8: {  	[tilespmem:s0+$0x10040] =	vst.add.f32.msk $0xffff, v2  }
.Ltmp4:
0xa9: {  	[tilespmem:s0+$0x13240] =	vst.add.f32.msk $0xffff, v2;
	(pc) =	sbr.rel @p0 .LBB2_7-.Ltmp4, $4  }
0xaa: {  	[tilespmem:s0+$0x10050] =	vst.add.f32.msk $0xffff, v3  }
0xab: {  	[tilespmem:s0+$0x13250] =	vst.add.f32.msk $0xffff, v3  }
0xac: {  	[tilespmem:s0+$0x10060] =	vst.add.f32.msk $0xffff, v4  }
0xad: {  	s7 =	sshra.s32 s9, $0x2;
	s9 =	sadd.s32 $0x100, s9;
	[tilespmem:s0+$0x13260] =	vst.add.f32.msk $0xffff, v4  }
0xae: {  	v1 =	vld [tilespmem:s7+$0x30]  }
0xaf: {  	v2 =	vld [tilespmem:s7+$0x0]  }
0xb0: {  	v3 =	vld [tilespmem:s7+$0x10]  }
0xb1: {  	v4 =	vld [tilespmem:s7+$0x20]  }
0xb2: {  	[tilespmem:s0+$0x10070] =	vst.add.f32.msk $0xffff, v0  }
0xb3: {  	[tilespmem:s7+$0x13270] =	vst.add.f32.msk $0xffff, v1  }
0xb4: {  	[tilespmem:s7+$0x10040] =	vst.add.f32.msk $0xffff, v2  }
0xb5: {  	[tilespmem:s7+$0x13240] =	vst.add.f32.msk $0xffff, v2  }
0xb6: {  	[tilespmem:s7+$0x10050] =	vst.add.f32.msk $0xffff, v3  }
0xb7: {  	[tilespmem:s7+$0x13250] =	vst.add.f32.msk $0xffff, v3  }
0xb8: {  	s31 =	sshll.u32 s31, $0x3;
	[tilespmem:s7+$0x10060] =	vst.add.f32.msk $0xffff, v4  }
0xb9: {  	s0 =	sand.u32 $0x1FFFFF00, s31;
	[tilespmem:s7+$0x13260] =	vst.add.f32.msk $0xffff, v4  }
0xba: {  	p0 =	seq.s32 s17, $0xF;
	s0 =	sadd.s32 s2, s0;
	[tilespmem:s7+$0x10070] =	vst.add.f32.msk $0xffff, v1  }
0xbb: {  	[hbm4b:s0+s3] =	stream.linear.scatter [tilespmem:s24], [sflag:$0x7], $0x6400, $0x38;
	[tilespmem:$0x1C840] =	vst v63  }
0xbc: {  	s0 =	simm.s32 @!p0 $0x5  }
0xbd: {  	_ =	swait.ge @!p0 [sflag:s0], $0x6400  }
0xbe: {  	s7 =	sadd.s32 @!p0 s15, s13;
	[sflag:s0] =	ssyncset.done @!p0 $0x0  }
0xbf: {  	[sflag:s0] =	ssyncadd.s32 @!p0 $0xFFFF9C00;
	s0 =	sshrl.u32 @!p0 s7, $0x3  }
0xc0: {  	s9 =	simm.s32 @!p0 $0x3200;
	s7 =	simm.s32 @!p0 $0x0;
	s0 =	sadd.s32 @!p0 s5, s0  }
0xc1: {  	[tilespmem:s9], [sflag:$0x9] =	stream.linear.gather @!p0 [hbm4b:s0+s7], $0x190, $0x38;
	[tilespmem:$0x1C840] =	vst v63  }
0xc2: {  	s0 =	simm.s32 @!p0 $0x9  }
0xc3: {  	_ =	swait.ge @!p0 [sflag:s0], $0x190  }
0xc4: {  	[sflag:s0] =	ssyncset.done @!p0 $0x0  }
0xc5: {  	s7 =	simm.s32 @!p0 $0x3840;
	[sflag:s0] =	ssyncadd.s32 @!p0 $0xFFFFFE70;
	s0 =	simm.s32 @!p0 $0x190  }
0xc6: {  	[tilespmem:s7], [sflag:$0x1] =	stream.indirect.gather @!p0 [hbm4b:s6+s0], $0x40, s9, s0, $0xb8;
	[tilespmem:$0x1C840] =	vst v63  }
0xc7: {  	_ =	swait.ge [sflag:s30], $0x6400  }
0xc8: {  	[sflag:s30] =	ssyncset.done $0x0  }
0xc9: {  	s0 =	simm.s32 $0x0;
	[sflag:s30] =	ssyncadd.s32 $0xFFFF9C00  }
0xca: {  	v0 =	vld [tilespmem:s0+$0x30]  }
0xcb: {  	v1 =	vld [tilespmem:s0+$0x0];
	_ =	sdelay $0x1  }
0xcc: {  	v2 =	vld [tilespmem:s0+$0x10]  }
0xcd: {  	v3 =	vld [tilespmem:s0+$0x20]  }
0xce: {  	[tilespmem:s0+$0x19670] =	vst.add.f32.msk $0xffff, v0  }
0xcf: {  	[tilespmem:s0+$0x16440] =	vst.add.f32.msk $0xffff, v1  }
0xd0: {  	[tilespmem:s0+$0x19640] =	vst.add.f32.msk $0xffff, v1  }
0xd1: {  	[tilespmem:s0+$0x16450] =	vst.add.f32.msk $0xffff, v2  }
0xd2: {  	[tilespmem:s0+$0x19650] =	vst.add.f32.msk $0xffff, v2  }
0xd3: {  	[tilespmem:s0+$0x16460] =	vst.add.f32.msk $0xffff, v3  }
0xd4: {  	s7 =	simm.s32 $0x40;
	s9 =	simm.s32 $0x200;
	[tilespmem:s0+$0x19660] =	vst.add.f32.msk $0xffff, v3  }
.LBB2_9:
0xd5: {  	p1 =	sne.s32 s9, $0xC700;
	v1 =	vld [tilespmem:s7+$0x30]  }
0xd6: {  	v2 =	vld [tilespmem:s7+$0x0]  }
0xd7: {  	v3 =	vld [tilespmem:s7+$0x10]  }
0xd8: {  	v4 =	vld [tilespmem:s7+$0x20]  }
0xd9: {  	[tilespmem:s0+$0x16470] =	vst.add.f32.msk $0xffff, v0;
	s0 =	smov.u32 s7  }
0xda: {  	[tilespmem:s0+$0x19670] =	vst.add.f32.msk $0xffff, v1;
	v0 =	vmov v1  }
0xdb: {  	[tilespmem:s0+$0x16440] =	vst.add.f32.msk $0xffff, v2  }
.Ltmp5:
0xdc: {  	[tilespmem:s0+$0x19640] =	vst.add.f32.msk $0xffff, v2;
	(pc) =	sbr.rel @p1 .LBB2_9-.Ltmp5, $4  }
0xdd: {  	[tilespmem:s0+$0x16450] =	vst.add.f32.msk $0xffff, v3  }
0xde: {  	[tilespmem:s0+$0x19650] =	vst.add.f32.msk $0xffff, v3  }
0xdf: {  	[tilespmem:s0+$0x16460] =	vst.add.f32.msk $0xffff, v4  }
0xe0: {  	s7 =	sshra.s32 s9, $0x2;
	s9 =	sadd.s32 $0x100, s9;
	[tilespmem:s0+$0x19660] =	vst.add.f32.msk $0xffff, v4  }
0xe1: {  	v1 =	vld [tilespmem:s7+$0x30]  }
0xe2: {  	v2 =	vld [tilespmem:s7+$0x0]  }
0xe3: {  	v3 =	vld [tilespmem:s7+$0x10]  }
0xe4: {  	v4 =	vld [tilespmem:s7+$0x20]  }
0xe5: {  	[tilespmem:s0+$0x16470] =	vst.add.f32.msk $0xffff, v0  }
0xe6: {  	[tilespmem:s7+$0x19670] =	vst.add.f32.msk $0xffff, v1  }
0xe7: {  	[tilespmem:s7+$0x16440] =	vst.add.f32.msk $0xffff, v2  }
0xe8: {  	[tilespmem:s7+$0x19640] =	vst.add.f32.msk $0xffff, v2  }
0xe9: {  	[tilespmem:s7+$0x16450] =	vst.add.f32.msk $0xffff, v3  }
.Ltmp6:
0xea: {  	[tilespmem:s7+$0x19650] =	vst.add.f32.msk $0xffff, v3;
	(pc) =	sbr.rel @p0 .LBB2_12-.Ltmp6, $4  }
0xeb: {  	s31 =	sshll.u32 s8, $0x3;
	[tilespmem:s7+$0x16460] =	vst.add.f32.msk $0xffff, v4  }
0xec: {  	s0 =	sand.u32 $0x1FFFFF80, s31;
	[tilespmem:s7+$0x19660] =	vst.add.f32.msk $0xffff, v4  }
0xed: {  	s0 =	sadd.s32 s2, s0;
	[tilespmem:s7+$0x16470] =	vst.add.f32.msk $0xffff, v1  }
0xee: {  	[hbm4b:s0+s3] =	stream.linear.scatter [tilespmem:s28], [sflag:$0x8], $0x6400, $0x38;
	[tilespmem:$0x1C840] =	vst v63  }
0xef: {  	_ =	swait.ge [sflag:s1], $0x6400;
	s0 =	sadd.s32 s15, s14  }
0xf0: {  	[sflag:s1] =	ssyncset.done $0x0;
	s0 =	sshrl.u32 s0, $0x3  }
0xf1: {  	[sflag:s1] =	ssyncadd.s32 $0xFFFF9C00;
	s0 =	sadd.s32 s5, s0  }
0xf2: {  	[tilespmem:s20], [sflag:$0x9] =	stream.linear.gather [hbm4b:s0+s3], $0x190, $0x38;
	[tilespmem:$0x1C840] =	vst v63  }
.Ltmp7:
0xf3: {  	_ = 	snop;
	(pc) =	sbr.rel .LBB2_2-.Ltmp7, $4  }
0xf4: {  	_ =	swait.ge [sflag:s16], $0x190  }
0xf5: {  	[sflag:s16] =	ssyncset.done $0x0  }
0xf6: {  	s17 =	sadd.s32 $0x1, s17;
	[sflag:s16] =	ssyncadd.s32 $0xFFFFFE70  }
0xf7: {  	[tilespmem:s21], [sflag:$0x2] =	stream.indirect.gather [hbm4b:s6+s18], $0x40, s20, s18, $0xb8;
	[tilespmem:$0x1C840] =	vst v63  }
.LBB2_13:
0xf8: {  	_ =	sfence.sel $0x180000  }
0xf9: {  	[bflag:$0x0] =	sbarrier.arrive $0xFFFF  }
0xfa: {  	_ =	strace $0x90000047  }
0xfb: {  	s0 =	stileid.u32;
	[bflag:$0x2] =	sbarrier.arrive $0xFFFF  }
0xfc: {  	p0 =	sne.s32 s0, $0x0;
	s0 =	rddreg [dreg:$0x2]  }
0xfd: {  	s0 =	sadd.s32 @!p0 $0x100000, s0  }
0xfe: {  	[sflag:s0] =	ssyncadd.tile.s32 @!p0 $0x1;
	_ =	shalt  }
.Lfunc_end2:
_tile_overlayer_lowered:
.L_overlay_start_2:
0xff: {  	(tag) =	ssettag $0x2  }
0x100: {  	s0 =	rddreg [dreg:$0x0];
	s2 =	stileid.u32  }
0x101: {  	s1 =	rddreg [dreg:$0x1];
	p0 =	sne.s32 s2, $0x0  }
0x102: {  	s3 =	rddreg [dreg:$0x2];
	[bflag:$0x3] =	sbarrier.arrive $0xFFFF;
	s2 =	simm.s32 @!p0 $0x1C09  }
0x103: {  	[timem:s3], [sflag:s2] =	dma.local @!p0 [hbm:s0], s1  }
0x104: {  	s0 =	simm.s32 @!p0 $0x9  }
0x105: {  	_ =	swait.ge @!p0 [sflag:s0], s1  }
0x106: {  	s1 =	ssub.s32 @!p0 $0x0, s1;
	[sflag:s0] =	ssyncset.done @!p0 $0x0  }
0x107: {  	[sflag:s0] =	ssyncadd.s32 @!p0 s1  }
0x108: {  	[bflag:$0x3] =	sbarrier.arrive $0xFFFF  }
0x109: {  	_ =	shalt  }

// kernel: sparse-core-data-format-call.cloned.1.call-start
scs
called_computation_lowered:
.L_overlay_start_0:
0x0: {  	s2 =	sld [smem:$0x3FD9]  }
0x1: {  	s3 =	sld [smem:$0x3FFE];
	_ =	sdelay $0x1  }
0x2: {  	s1 =	srdreg.scid  }
0x3: {  	s0 =	sand.u32 $0x1, s1  }
0x4: {  	s18 =	sshll.u32 s0, $0xA;
	s2 =	sadd.s32 s3, s2  }
0x5: {  	s2 =	sadd.s32 s2, s18  }
0x6: {  	[smem:$0x3FC5] =	sst s2  }
0x7: {  	_ = 	snop  }
0x8: {  	s2 =	sld [smem:$0x3FD0];
	(tm) =	ssettm $0x1  }
0x9: {  	s19 =	sld [smem:$0x3FFB];
	_ =	sdelay $0x3  }
0xa: {  	_ =	strace s19  }
0xb: {  	s3 =	sld [smem:$0x3FFC];
	_ =	sdelay $0x3  }
0xc: {  	_ =	strace s3  }
0xd: {  	s3 =	sld [smem:$0x3FFD];
	_ =	sdelay $0x3  }
0xe: {  	_ =	strace s3  }
0xf: {  	_ =	strace $0x8FFFFFFF  }
0x10: {  	s20 =	sld [smem:$0x3FDB];
	_ =	sdelay $0x1  }
0x11: {  	s4 =	simm.s32 $_scs_section_size  }
0x12: {  	s5 =	simm.s32 $_size__tile_overlayer_lowered;
	s6 =	simm.s32 $_tile_overlayer_lowered  }
0x13: {  	s23 =	simm.s32 $0x1BFF;
	s22 =	sshll.u32 s6, $0x1;
	s3 =	sadd.s32 s4, s20  }
0x14: {  	s7 =	simm.s32 $0x0;
	s21 =	sshll.u32 s5, $0x1;
	s5 =	sadd.s32 s22, s3  }
0x15: {  	[timem:s7], [sflag:s23] =	dma.local [hbm:s5], s21  }
0x16: {  	_ =	swait.ge [sflag:s23], s21  }
0x17: {  	s4 =	ssub.s32 $0x0, s21;
	[sflag:s23] =	ssyncset.done $0x0  }
0x18: {  	[sflag:s23] =	ssyncadd.s32 s4;
	_ =	sdelay $0x1  }
0x19: {  	s24 =	simm.s32 $0x1B8B  }
0x1a: {  	_ =	swait.ge [sflag:s24], $0x1  }
0x1b: {  	[sflag:s24] =	ssyncset.done $0x0  }
0x1c: {  	s26 =	simm.s32 $0x1B8E;
	s25 =	sld [smem:$0x3FFE];
	[sflag:s24] =	ssyncadd.s32 $0xFFFFFFFF  }
0x1d: {  	s27 =	simm.s32 $execute0_lowered;
	[smem:$0x3FD2] =	sst s26  }
0x1e: {  	s5 =	sshll.u32 s27, $0x1;
	_ =	strace $0x80000049;
	[dreg:$0x1] =	wrdreg $0xFFFFFFFF  }
0x1f: {  	s28 =	simm.s32 $_size_execute0_lowered;
	s3 =	sadd.s32 s3, s5;
	[dreg:$0x0] =	wrdreg $0x0  }
0x20: {  	s5 =	sshll.u32 s28, $0x1;
	[dreg:$0x2] =	wrdreg s3  }
0x21: {  	[dreg:$0x3] =	wrdreg s5  }
0x22: {  	[dreg:$0x4] =	wrdreg $0xC0  }
0x23: {  	_ =	task [dreg:s7], $0x5FFFF  }
0x24: {  	[dreg:$0x1] =	wrdreg $0xFFFFFFFF  }
0x25: {  	[dreg:$0x0] =	wrdreg $0x60  }
0x26: {  	[dreg:$0x2] =	wrdreg s25  }
0x27: {  	[dreg:$0x3] =	wrdreg s2  }
0x28: {  	[dreg:$0x4] =	wrdreg $0x9  }
0x29: {  	_ =	task.clear_ibuf [dreg:s7], $0x5FFFF;
	_ =	strace $0x90000049  }
0x2a: {  	s29 =	simm.s32 $0x9;
	_ =	strace $0x8000004B  }
0x2b: {  	_ =	swait.ge [sflag:s29], $0x1  }
0x2c: {  	[sflag:s29] =	ssyncadd.s32 $0xFFFFFFFF  }
0x2d: {  	_ =	strace $0x9000004B  }
0x2e: {  	_ =	sfence  }
0x2f: {  	s30 =	sld [smem:$0x0];
	_ =	sdelay $0x2  }
0x30: {  	s31 =	sshll.u32 s1, $0xD;
	s1 =	sshrl.u32 s1, $0x2  }
0x31: {  	s3 =	sand.u32 $0x4000, s31;
	s1 =	sadd.s32 s1, s30  }
0x32: {  	s0 =	sor.u32 s3, s0;
	s1 =	sshll.u32 s1, $0x11  }
0x33: {  	s0 =	sor.u32 s1, s0  }
0x34: {  	s0 =	sadd.s32 $0x8F2B, s0  }
0x35: {  	[sflag:s0] =	ssyncadd.remote.s32 $0x1  }
0x36: {  	_ =	sfence.sel $0xFFFF  }
0x37: {  	[dreg:$0x0] =	wrdreg $0xFFFFFFFF;
	(pc) =	sbr.abs _section_cstart, $3  }
0x38: {  	[dreg:$0x1] =	wrdreg $0xFFFFFFFF  }
0x39: {  	_ =	task.clear_ibuf [dreg:s7], $0x2FFFF;
	_ =	strace $0x9FFFFFFF  }
0x3a: {  	(tm) =	ssettm $0x7FFFFFFF  }
0x3b: {  	_ =	shalt  }
tec
execute0_lowered:
.L_overlay_start_1:
0x0: {  	(tag) =	ssettag $0x1  }
0x1: {  	s0 =	srdreg.scid  }
0x2: {  	s1 =	sshll.u32 s0, $0x4  }
0x3: {  	s0 =	stileid.u32;
	s1 =	sand.u32 $0x10, s1  }
0x4: {  	s1 =	sor.u32 s0, s1  }
0x5: {  	s6 =	rddreg [dreg:$0x0];
	s4 =	simm.s32 $0x1;
	s2 =	sshll.u32 s1, $0x7  }
0x6: {  	s7 =	simm.s32 $0x2;
	s12 =	simm.s32 $0x0;
	s1 =	ssub.s32 $0x1000, s2  }
0x7: {  	s8 =	simm.s32 $0x8000;
	s13 =	simm.s32 $0x0;
	s3 =	sand.u32 $0xF80, s1  }
0x8: {  	s9 =	simm.s32 $0x0;
	s5 =	sshrl.u32 s1, $0xC;
	p0 =	sne.s32 s3, $0x0  }
.Ltmp0:
0x9: {  	s1 =	rddreg [dreg:$0x2];
	s4 =	simm.s32 @!p0 $0x0;
	(pc) =	sbr.rel .LBB1_1-.Ltmp0, $4  }
0xa: {  	s11 =	simm.s32 $0x0;
	s3 =	rddreg [dreg:$0x1];
	s5 =	sadd.s32 s4, s5  }
0xb: {  	_ =	strace $0x8000004A;
	s4 =	simm.s32 $0x1;
	s5 =	smul.u32 $0xC8, s5  }
0xc: {  	s6 =	sadd.s32 $0xC00, s6;
	s10 =	smov.u32 s2;
	[sflag:s4] =	ssyncpa.u1 $0x0  }
0xd: {  	p0 =	por $0x0, $0x0;
	[sflag:s7] =	ssyncpa.u1 $0x0;
	s7 =	sor.u32 $0x1, s5  }
.LBB1_4:
0xe: {  	s16 =	sshll.u32 s13, $0x3;
	s17 =	sand.u32 $0x78, s13  }
0xf: {  	s30 =	sand.u32 $0x7E00, s13;
	s12 =	sshll.u32 s12, $0xF;
	s16 =	sand.u32 $0xC00, s16  }
0x10: {  	[tilespmem:s15+$0x810 ss:$0x81] =	vst.msk $0xffff, v2;
	s31 =	sand.u32 $0x7, s13;
	s16 =	sor.u32 s17, s16;
	s17 =	sadd.s32 s3, s30  }
0x11: {  	[tilespmem:s15+$0x1020 ss:$0x81] =	vst.msk $0xffff, v0;
	s13 =	sshll.u32 s31, $0x12;
	s12 =	sadd.s32 s12, s17;
	s16 =	sshrl.u32 s16, $0x3  }
0x12: {  	[tilespmem:s15+$0x0 ss:$0x81] =	vst.msk $0xffff, v1;
	s13 =	sor.u32 $0x400, s13;
	s12 =	sadd.s32 s16, s12  }
0x13: {  	[hbm4b:s12+s13] =	stream.strided.scatter [tilespmem:s14], [sflag:$0x2], $0x2000, s8, s13, $0x20;
	[tilespmem:$0x8080] =	vst v63  }
.LBB1_5:
0x14: {  	s14 =	sadd.s32 $0x1, s9  }
0x15: {  	s12 =	sadd.s32 $0x1000, s10;
	s16 =	smov.u32 s10;
	p2 =	sgt.s32 s14, $0xC7  }
0x16: {  	s16 =	smov.u32 @p2 s12  }
0x17: {  	s14 =	simm.s32 @p2 $0x0;
	p2 =	sgt.s32 s16, $0xFFF  }
0x18: {  	s16 =	smov.u32 @p2 s2;
	p2 =	sne.s32 s11, s7  }
.Ltmp1:
0x19: {  	p1 =	slt.u32 s11, $0x2;
	(pc) =	sbr.rel @!p2 .LBB1_6-.Ltmp1, $4  }
0x1a: {  	s15 =	simm.s32 @!p1 $0x2  }
0x1b: {  	s13 =	smov.u32 s10;
	p0 =	por !p0, !p0;
	_ =	swait.ge @!p1 [sflag:s15], $0x2000  }
0x1c: {  	s12 =	smov.u32 s9;
	[sflag:s15] =	ssyncset.done @!p1 $0x0;
	s9 =	smov.u32 s14  }
0x1d: {  	s11 =	sadd.s32 $0x1, s11;
	[sflag:s15] =	ssyncadd.s32 @!p1 $0xFFFFE000;
	s10 =	smov.u32 s16  }
.LBB1_1:
0x1e: {  	p1 =	sge.u32 s11, s5  }
0x1f: {  	s14 =	sand.u32 @!p1 $0x1FFFFFF, s9  }
0x20: {  	s15 =	smulhi.u32 @!p1 $0x147AE15, s14;
	_ =	sdelay $0x1  }
0x21: {  	s15 =	smul.u32 @!p1 $0xC8, s15  }
0x22: {  	s16 =	sxor.u32 @!p1 $0xFFFFFFFF, s11;
	s17 =	smul.u32 @!p1 $0xC80, s10  }
0x23: {  	s31 =	sadd.s32 $0xFFFFFFFF, s11;
	s16 =	sshll.u32 @!p1 s16, $0xD;
	s14 =	ssub.s32 @!p1 s14, s15  }
0x24: {  	s15 =	sand.u32 @!p1 $0x2000, s16;
	s16 =	sadd.s32 @!p1 s6, s17;
	s14 =	sshll.u32 @!p1 s14, $0x4  }
0x25: {  	s17 =	simm.s32 @!p1 $0x6400;
	s14 =	sadd.s32 @!p1 s14, s16;
	s16 =	simm.s32 @!p1 $0x40  }
0x26: {  	[tilespmem:s15], [sflag:$0x1] =	stream.strided.gather @!p1 [hbm4b:s14+s16], $0x2000, s17, s16, $0x38;
	[tilespmem:$0x8080] =	vst v63  }
0x27: {  	p1 =	sge.u32 s31, s5  }
.Ltmp2:
0x28: {  	_ = 	snop;
	(pc) =	sbr.rel @p1 .LBB1_5-.Ltmp2, $1  }
0x29: {  	_ =	sdelay $0x3  }
0x2a: {  	s14 =	simm.s32 $0x1  }
0x2b: {  	_ =	swait.ge [sflag:s4], $0x2000;
	s14 =	simm.s32 @!p0 $0x0  }
0x2c: {  	[sflag:s4] =	ssyncset.done $0x0;
	s15 =	sshll.u32 s14, $0xD  }
0x2d: {  	[sflag:s4] =	ssyncadd.s32 $0xFFFFE000;
	s18 =	sor.u32 $0x20, s15  }
0x2e: {  	s14 =	smul.u32 $0x8100, s14;
	v3 =	vld [tilespmem:s18+$0x10]  }
0x2f: {  	s30 =	sand.u32 $0x1, s11;
	v2 =	vld [tilespmem:s18+$0xFFFFFFF0]  }
0x30: {  	s15 =	smul.u32 $0x8100, s30;
	s14 =	sshrl.u32 s14, $0x2;
	v0 =	vld [tilespmem:s18+$0x0]  }
0x31: {  	v1 =	vld [tilespmem:s18+$0xFFFFFFE0];
	s16 =	sor.u32 $0x4000, s14  }
0x32: {  	s31 =	sshrl.u32 s15, $0x2;
	s15 =	sadd.s32 $0x0, s16  }
0x33: {  	s17 =	simm.s32 $0x4;
	s18 =	sadd.s32 $0x40, s18;
	s14 =	sor.u32 $0x4000, s31;
	[tilespmem:s15+$0x1830 ss:$0x81] =	vst.msk $0xffff, v3  }
.LBB1_3:
0x34: {  	v3 =	vld [tilespmem:s18+$0x10];
	p1 =	sne.s32 s17, $0x1FC;
	[tilespmem:s15+$0x810 ss:$0x81] =	vst.msk $0xffff, v2;
	s19 =	smov.u32 s17;
	s17 =	sadd.s32 $0x4, s17  }
.Ltmp3:
0x35: {  	v2 =	vld [tilespmem:s18+$0xFFFFFFF0];
	[tilespmem:s15+$0x1020 ss:$0x81] =	vst.msk $0xffff, v0;
	(pc) =	sbr.rel @p1 .LBB1_3-.Ltmp3, $4  }
0x36: {  	v0 =	vld [tilespmem:s18+$0x0];
	[tilespmem:s15+$0x0 ss:$0x81] =	vst.msk $0xffff, v1  }
0x37: {  	s15 =	sshra.s32 s19, $0x2;
	v1 =	vld [tilespmem:s18+$0xFFFFFFE0]  }
0x38: {  	s15 =	sadd.s32 s15, s16  }
0x39: {  	s18 =	sadd.s32 $0x40, s18;
	[tilespmem:s15+$0x1830 ss:$0x81] =	vst.msk $0xffff, v3  }
.Ltmp4:
0x3a: {  	_ = 	snop;
	(pc) =	sbr.rel .LBB1_4-.Ltmp4, $1  }
0x3b: {  	_ =	sdelay $0x3  }
.LBB1_6:
0x3c: {  	_ =	sfence.sel $0x180000  }
0x3d: {  	s2 =	simm.s32 $0x1;
	[bflag:$0x0] =	sbarrier.arrive $0xFFFF  }
0x3e: {  	s31 =	simm.s32 $0x2;
	[sflag:s2] =	ssyncpa.u1 $0x1  }
0x3f: {  	[sflag:s31] =	ssyncpa.u1 $0x1  }
0x40: {  	p0 =	sne.s32 s0, $0x0;
	_ =	strace $0x9000004A  }
0x41: {  	s0 =	sadd.s32 @!p0 $0x100000, s1;
	[bflag:$0x2] =	sbarrier.arrive $0xFFFF  }
0x42: {  	[sflag:s0] =	ssyncadd.tile.s32 @!p0 $0x1;
	_ =	shalt  }
.Lfunc_end1:
_tile_overlayer_lowered:
.L_overlay_start_2:
0x43: {  	(tag) =	ssettag $0x2  }
0x44: {  	s0 =	rddreg [dreg:$0x0];
	s2 =	stileid.u32  }
0x45: {  	s1 =	rddreg [dreg:$0x1];
	p0 =	sne.s32 s2, $0x0  }
0x46: {  	s3 =	rddreg [dreg:$0x2];
	[bflag:$0x3] =	sbarrier.arrive $0xFFFF;
	s2 =	simm.s32 @!p0 $0x1C01  }
0x47: {  	[timem:s3], [sflag:s2] =	dma.local @!p0 [hbm:s0], s1  }
0x48: {  	s0 =	simm.s32 @!p0 $0x1  }
0x49: {  	_ =	swait.ge @!p0 [sflag:s0], s1  }
0x4a: {  	s1 =	ssub.s32 @!p0 $0x0, s1;
	[sflag:s0] =	ssyncset.done @!p0 $0x0  }
0x4b: {  	[sflag:s0] =	ssyncadd.s32 @!p0 s1  }
0x4c: {  	[bflag:$0x3] =	sbarrier.arrive $0xFFFF  }
0x4d: {  	_ =	shalt  }

</sc_bundles>
